<compile_context>
chip_gen: v7x
topology: tpu7x:2x2x1
jax: 0.10.2.dev20260603
libtpu: 0.0.44.dev20260713+nightly
codegen_flags: <defaults>
</compile_context>

<pallas_src>
import functools
import math

import jax
import jax.numpy as jnp
from jax import lax
from jax.experimental import pallas as pl
from jax.experimental.pallas import tpu as pltpu
from jax.experimental.pallas import tpu_sc as plsc

D_MODEL = 128
CHUNK = 128
GPS = 2
SLOT = CHUNK * GPS
NBUF = 3
NC = 2
NS = 16
NW = NC * NS
LANES = 16
SCALE = math.sqrt(float(D_MODEL))


@functools.partial(jax.jit, static_argnums=(2,))
def _sc_embed(idx3, table, n_slots):
    B = NW * n_slots * SLOT
    mesh = plsc.VectorSubcoreMesh(core_axis_name="c", subcore_axis_name="s")

    @functools.partial(
        pl.kernel,
        mesh=mesh,
        out_type=jax.ShapeDtypeStruct((B, D_MODEL), jnp.float32),
        scratch_types=[
            pltpu.VMEM((n_slots * GPS, CHUNK), jnp.int32),
            pltpu.VMEM((NBUF, SLOT, D_MODEL), jnp.float32),
            pltpu.SemaphoreType.DMA,
            pltpu.SemaphoreType.DMA,
            pltpu.SemaphoreType.DMA,
            pltpu.SemaphoreType.DMA,
            pltpu.SemaphoreType.DMA,
            pltpu.SemaphoreType.DMA,
        ],
    )
    def k(idx_hbm, table_hbm, out_hbm, idx_v, bufs, g0, g1, g2, s0, s1, s2):
        wid = lax.axis_index("s") * NC + lax.axis_index("c")
        pltpu.sync_copy(idx_hbm.at[wid], idx_v)
        gsem = (g0, g1, g2)
        ssem = (s0, s1, s2)
        out_base0 = wid * n_slots

        def start_gathers(slot, b):
            for c in range(GPS):
                pltpu.async_copy(
                    table_hbm.at[idx_v.at[slot * GPS + c]],
                    bufs.at[b].at[pl.ds(c * CHUNK, CHUNK)],
                    gsem[b],
                )

        def wait_gathers(b):
            pltpu.make_async_copy(
                table_hbm.at[idx_v.at[0]], bufs.at[b], gsem[b]
            ).wait()

        def wait_scatter(b):
            pltpu.make_async_copy(
                bufs.at[b], out_hbm.at[pl.ds(0, SLOT)], ssem[b]
            ).wait()

        for b in range(NBUF):
            start_gathers(b, b)

        def group(g, carry):
            for t in range(NBUF):
                j = g * NBUF + t
                b = t
                b2 = (t - 1) % NBUF
                buf = bufs.at[b]

                @pl.when(j < n_slots)
                def _():
                    wait_gathers(b)

                    @plsc.parallel_loop(0, SLOT, unroll=4)
                    def _(r):
                        for o in range(0, D_MODEL, LANES):
                            buf[r, pl.ds(o, LANES)] = (
                                buf[r, pl.ds(o, LANES)] * SCALE
                            )

                    pltpu.async_copy(
                        buf,
                        out_hbm.at[pl.ds((out_base0 + j) * SLOT, SLOT)],
                        ssem[b],
                    )

                @pl.when((j >= 1) & (j <= n_slots))
                def _():
                    wait_scatter(b2)

                @pl.when((j >= 1) & (j + 2 < n_slots))
                def _():
                    start_gathers(j + 2, b2)

            return carry

        lax.fori_loop(0, (n_slots + NBUF) // NBUF, group, 0)

    return k(idx3, table)


def kernel(indices, table):
    S0, S1 = indices.shape
    B = S0 * S1
    n_slots = B // (NW * SLOT)
    idx3 = indices.astype(jnp.int32).reshape(NW, n_slots * GPS, CHUNK)
    out = _sc_embed(idx3, table, n_slots)
    return out.reshape(S0, S1, D_MODEL)

# --- scband reference (transcript-rebuilt; emitter-appended) ---
"""Pipeline reference for scband-input-block-24249385353309 (READ-ONLY COPY).

The authoritative reference and input builder live on the scoring server;
editing this copy changes nothing except your own understanding.
"""

import jax, jax.numpy as jnp
import numpy as np

VOCAB = 100000
D_MODEL = 128
PAD_IDX = 0


def setup_inputs(seed: int = 0) -> dict:
    key = jax.random.key(seed)
    k1, k2 = jax.random.split(key)
    indices = jax.random.randint(k1, (1024, 200), 0, VOCAB, dtype=jnp.int64 if jax.config.jax_enable_x64 else jnp.int32)
    table = jax.random.normal(k2, (VOCAB, D_MODEL), dtype=jnp.float32)
    # nn.Embedding(padding_idx=pad_idx) zeros the padding row
    table = table.at[PAD_IDX].set(0.0)
    return {"indices": indices, "table": table}


def reference(indices, table):
    # InputBlock.forward: embedding lookup scaled by sqrt(d_model)
    d_model = table.shape[1]
    emb = jnp.take(table, indices, axis=0)
    return emb * jnp.sqrt(jnp.asarray(d_model, dtype=emb.dtype))

if __name__ == "__main__":
    import jax
    _d = setup_inputs()
    print(jax.jit(kernel)(*tuple(_d.values())))

</pallas_src>

<mosaic_0001>
#map = affine_map<(d0, d1) -> (0, 0, 0)>
#map1 = affine_map<(d0, d1) -> (0, 0)>
module attributes {stable_mosaic.version = 14 : i64} {
  func.func @k(%arg0: i32, %arg1: i32, %arg2: memref<32x50x128xi32, #tpu.memory_space<hbm>>, %arg3: memref<100000x128xf32, #tpu.memory_space<hbm>>, %arg4: memref<204800x128xf32, #tpu.memory_space<hbm>>, %arg5: memref<50x128xi32, #tpu.memory_space<vmem>>, %arg6: memref<3x256x128xf32, #tpu.memory_space<vmem>>, %arg7: memref<!tpu.dma_semaphore, #tpu.memory_space<semaphore_mem>>, %arg8: memref<!tpu.dma_semaphore, #tpu.memory_space<semaphore_mem>>, %arg9: memref<!tpu.dma_semaphore, #tpu.memory_space<semaphore_mem>>, %arg10: memref<!tpu.dma_semaphore, #tpu.memory_space<semaphore_mem>>, %arg11: memref<!tpu.dma_semaphore, #tpu.memory_space<semaphore_mem>>, %arg12: memref<!tpu.dma_semaphore, #tpu.memory_space<semaphore_mem>>) attributes {dimension_semantics = [#tpu.dimension_semantics<core_parallel>, #tpu.dimension_semantics<subcore_parallel>], iteration_bounds = array<i64: 2, 16>, scalar_prefetch = 0 : i64, scratch_operands = 8 : i64, tpu.core_type = #tpu.core_type<sc_vector_subcore>, window_params = [{transform_indices = #map}, {transform_indices = #map1}, {transform_indices = #map1}]} {
    %mul3A = arith.constant 2 : i32
    %mul3A_0 = arith.muli %arg1, %mul3A : i32
    %add3A = arith.addi %mul3A_0, %arg0 : i32
    "tpu.region"() ({
      %run_scoped3A = tpu.sem_alloc : memref<!tpu.dma_semaphore, #tpu.memory_space<semaphore_mem>>
      %dma_start3A_97 = arith.constant 0 : i32
      %dma_start3A_98 = arith.constant 0 : i32
      %dma_start3A_99 = tpu.memref_slice %arg2[%add3A, %dma_start3A_97, %dma_start3A_98] : memref<32x50x128xi32, #tpu.memory_space<hbm>> -> memref<1x50x128xi32, #tpu.memory_space<hbm>>
      %dma_start3A_100 = tpu.memref_squeeze %dma_start3A_99 : memref<1x50x128xi32, #tpu.memory_space<hbm>> -> memref<50x128xi32, #tpu.memory_space<hbm>>
      %dma_start3A_101 = arith.constant 0 : i32
      %dma_start3A_102 = arith.constant 0 : i32
      %dma_start3A_103 = tpu.memref_slice %arg2[%add3A, %dma_start3A_101, %dma_start3A_102] : memref<32x50x128xi32, #tpu.memory_space<hbm>> -> memref<1x50x128xi32, #tpu.memory_space<hbm>>
      %dma_start3A_104 = tpu.memref_squeeze %dma_start3A_103 : memref<1x50x128xi32, #tpu.memory_space<hbm>> -> memref<50x128xi32, #tpu.memory_space<hbm>>
      tpu.enqueue_dma source(%dma_start3A_104 : memref<50x128xi32, #tpu.memory_space<hbm>>) target(%arg5 : memref<50x128xi32, #tpu.memory_space<vmem>>) target_semaphore(%run_scoped3A : memref<!tpu.dma_semaphore, #tpu.memory_space<semaphore_mem>>)
      %dma_wait3A = arith.constant 0 : i32
      %dma_wait3A_105 = arith.constant 0 : i32
      %dma_wait3A_106 = tpu.memref_slice %arg2[%add3A, %dma_wait3A, %dma_wait3A_105] : memref<32x50x128xi32, #tpu.memory_space<hbm>> -> memref<1x50x128xi32, #tpu.memory_space<hbm>>
      %dma_wait3A_107 = tpu.memref_squeeze %dma_wait3A_106 : memref<1x50x128xi32, #tpu.memory_space<hbm>> -> memref<50x128xi32, #tpu.memory_space<hbm>>
      %dma_wait3A_108 = arith.constant 0 : i32
      %dma_wait3A_109 = arith.constant 0 : i32
      %dma_wait3A_110 = tpu.memref_slice %arg2[%add3A, %dma_wait3A_108, %dma_wait3A_109] : memref<32x50x128xi32, #tpu.memory_space<hbm>> -> memref<1x50x128xi32, #tpu.memory_space<hbm>>
      %dma_wait3A_111 = tpu.memref_squeeze %dma_wait3A_110 : memref<1x50x128xi32, #tpu.memory_space<hbm>> -> memref<50x128xi32, #tpu.memory_space<hbm>>
      tpu.wait_dma2 semaphore(%run_scoped3A : memref<!tpu.dma_semaphore, #tpu.memory_space<semaphore_mem>>) src(%dma_wait3A_111 : memref<50x128xi32, #tpu.memory_space<hbm>>) dst(%arg5 : memref<50x128xi32, #tpu.memory_space<vmem>>)
      tpu.yield
    }) : () -> ()
    %mul3A_1 = arith.constant 25 : i32
    %mul3A_2 = arith.muli %add3A, %mul3A_1 : i32
    %dma_start3A = arith.constant 0 : i32
    %dma_start3A_3 = arith.constant 0 : i32
    %dma_start3A_4 = arith.constant 0 : i32
    %dma_start3A_5 = arith.constant 0 : i32
    %dma_start3A_6 = tpu.memref_slice %arg6[%dma_start3A_3, %dma_start3A_4, %dma_start3A_5] : memref<3x256x128xf32, #tpu.memory_space<vmem>> -> memref<1x256x128xf32, #tpu.memory_space<vmem>>
    %dma_start3A_7 = tpu.memref_squeeze %dma_start3A_6 : memref<1x256x128xf32, #tpu.memory_space<vmem>> -> memref<256x128xf32, #tpu.memory_space<vmem>>
    %dma_start3A_8 = arith.constant 0 : i32
    %dma_start3A_9 = arith.constant 0 : i32
    %dma_start3A_10 = tpu.memref_slice %dma_start3A_7[%dma_start3A_8, %dma_start3A_9] : memref<256x128xf32, #tpu.memory_space<vmem>> -> memref<128x128xf32, #tpu.memory_space<vmem>>
    %dma_start3A_11 = arith.constant 0 : i32
    %dma_start3A_12 = tpu.memref_slice %arg5[%dma_start3A, %dma_start3A_11] : memref<50x128xi32, #tpu.memory_space<vmem>> -> memref<1x128xi32, #tpu.memory_space<vmem>>
    %dma_start3A_13 = tpu.memref_squeeze %dma_start3A_12 : memref<1x128xi32, #tpu.memory_space<vmem>> -> memref<128xi32, #tpu.memory_space<vmem>>
    %dma_start3A_14 = arith.constant 0 : i32
    %dma_start3A_15 = arith.constant 0 : i32
    %dma_start3A_16 = tpu.memref_slice %arg3[%dma_start3A_14, %dma_start3A_15] : memref<100000x128xf32, #tpu.memory_space<hbm>> -> memref<100000x128xf32, #tpu.memory_space<hbm>>
    tpu.enqueue_indirect_dma source(%dma_start3A_16 : memref<100000x128xf32, #tpu.memory_space<hbm>>) target(%dma_start3A_10 : memref<128x128xf32, #tpu.memory_space<vmem>>) offsets(%dma_start3A_13 : memref<128xi32, #tpu.memory_space<vmem>>) semaphore(%arg7 : memref<!tpu.dma_semaphore, #tpu.memory_space<semaphore_mem>>)
    %dma_start3A_17 = arith.constant 1 : i32
    %dma_start3A_18 = arith.constant 0 : i32
    %dma_start3A_19 = arith.constant 0 : i32
    %dma_start3A_20 = arith.constant 0 : i32
    %dma_start3A_21 = tpu.memref_slice %arg6[%dma_start3A_18, %dma_start3A_19, %dma_start3A_20] : memref<3x256x128xf32, #tpu.memory_space<vmem>> -> memref<1x256x128xf32, #tpu.memory_space<vmem>>
    %dma_start3A_22 = tpu.memref_squeeze %dma_start3A_21 : memref<1x256x128xf32, #tpu.memory_space<vmem>> -> memref<256x128xf32, #tpu.memory_space<vmem>>
    %dma_start3A_23 = arith.constant 128 : i32
    %dma_start3A_24 = arith.constant 0 : i32
    %dma_start3A_25 = tpu.memref_slice %dma_start3A_22[%dma_start3A_23, %dma_start3A_24] : memref<256x128xf32, #tpu.memory_space<vmem>> -> memref<128x128xf32, #tpu.memory_space<vmem>>
    %dma_start3A_26 = arith.constant 0 : i32
    %dma_start3A_27 = tpu.memref_slice %arg5[%dma_start3A_17, %dma_start3A_26] : memref<50x128xi32, #tpu.memory_space<vmem>> -> memref<1x128xi32, #tpu.memory_space<vmem>>
    %dma_start3A_28 = tpu.memref_squeeze %dma_start3A_27 : memref<1x128xi32, #tpu.memory_space<vmem>> -> memref<128xi32, #tpu.memory_space<vmem>>
    %dma_start3A_29 = arith.constant 0 : i32
    %dma_start3A_30 = arith.constant 0 : i32
    %dma_start3A_31 = tpu.memref_slice %arg3[%dma_start3A_29, %dma_start3A_30] : memref<100000x128xf32, #tpu.memory_space<hbm>> -> memref<100000x128xf32, #tpu.memory_space<hbm>>
    tpu.enqueue_indirect_dma source(%dma_start3A_31 : memref<100000x128xf32, #tpu.memory_space<hbm>>) target(%dma_start3A_25 : memref<128x128xf32, #tpu.memory_space<vmem>>) offsets(%dma_start3A_28 : memref<128xi32, #tpu.memory_space<vmem>>) semaphore(%arg7 : memref<!tpu.dma_semaphore, #tpu.memory_space<semaphore_mem>>)
    %dma_start3A_32 = arith.constant 2 : i32
    %dma_start3A_33 = arith.constant 1 : i32
    %dma_start3A_34 = arith.constant 0 : i32
    %dma_start3A_35 = arith.constant 0 : i32
    %dma_start3A_36 = tpu.memref_slice %arg6[%dma_start3A_33, %dma_start3A_34, %dma_start3A_35] : memref<3x256x128xf32, #tpu.memory_space<vmem>> -> memref<1x256x128xf32, #tpu.memory_space<vmem>>
    %dma_start3A_37 = tpu.memref_squeeze %dma_start3A_36 : memref<1x256x128xf32, #tpu.memory_space<vmem>> -> memref<256x128xf32, #tpu.memory_space<vmem>>
    %dma_start3A_38 = arith.constant 0 : i32
    %dma_start3A_39 = arith.constant 0 : i32
    %dma_start3A_40 = tpu.memref_slice %dma_start3A_37[%dma_start3A_38, %dma_start3A_39] : memref<256x128xf32, #tpu.memory_space<vmem>> -> memref<128x128xf32, #tpu.memory_space<vmem>>
    %dma_start3A_41 = arith.constant 0 : i32
    %dma_start3A_42 = tpu.memref_slice %arg5[%dma_start3A_32, %dma_start3A_41] : memref<50x128xi32, #tpu.memory_space<vmem>> -> memref<1x128xi32, #tpu.memory_space<vmem>>
    %dma_start3A_43 = tpu.memref_squeeze %dma_start3A_42 : memref<1x128xi32, #tpu.memory_space<vmem>> -> memref<128xi32, #tpu.memory_space<vmem>>
    %dma_start3A_44 = arith.constant 0 : i32
    %dma_start3A_45 = arith.constant 0 : i32
    %dma_start3A_46 = tpu.memref_slice %arg3[%dma_start3A_44, %dma_start3A_45] : memref<100000x128xf32, #tpu.memory_space<hbm>> -> memref<100000x128xf32, #tpu.memory_space<hbm>>
    tpu.enqueue_indirect_dma source(%dma_start3A_46 : memref<100000x128xf32, #tpu.memory_space<hbm>>) target(%dma_start3A_40 : memref<128x128xf32, #tpu.memory_space<vmem>>) offsets(%dma_start3A_43 : memref<128xi32, #tpu.memory_space<vmem>>) semaphore(%arg8 : memref<!tpu.dma_semaphore, #tpu.memory_space<semaphore_mem>>)
    %dma_start3A_47 = arith.constant 3 : i32
    %dma_start3A_48 = arith.constant 1 : i32
    %dma_start3A_49 = arith.constant 0 : i32
    %dma_start3A_50 = arith.constant 0 : i32
    %dma_start3A_51 = tpu.memref_slice %arg6[%dma_start3A_48, %dma_start3A_49, %dma_start3A_50] : memref<3x256x128xf32, #tpu.memory_space<vmem>> -> memref<1x256x128xf32, #tpu.memory_space<vmem>>
    %dma_start3A_52 = tpu.memref_squeeze %dma_start3A_51 : memref<1x256x128xf32, #tpu.memory_space<vmem>> -> memref<256x128xf32, #tpu.memory_space<vmem>>
    %dma_start3A_53 = arith.constant 128 : i32
    %dma_start3A_54 = arith.constant 0 : i32
    %dma_start3A_55 = tpu.memref_slice %dma_start3A_52[%dma_start3A_53, %dma_start3A_54] : memref<256x128xf32, #tpu.memory_space<vmem>> -> memref<128x128xf32, #tpu.memory_space<vmem>>
    %dma_start3A_56 = arith.constant 0 : i32
    %dma_start3A_57 = tpu.memref_slice %arg5[%dma_start3A_47, %dma_start3A_56] : memref<50x128xi32, #tpu.memory_space<vmem>> -> memref<1x128xi32, #tpu.memory_space<vmem>>
    %dma_start3A_58 = tpu.memref_squeeze %dma_start3A_57 : memref<1x128xi32, #tpu.memory_space<vmem>> -> memref<128xi32, #tpu.memory_space<vmem>>
    %dma_start3A_59 = arith.constant 0 : i32
    %dma_start3A_60 = arith.constant 0 : i32
    %dma_start3A_61 = tpu.memref_slice %arg3[%dma_start3A_59, %dma_start3A_60] : memref<100000x128xf32, #tpu.memory_space<hbm>> -> memref<100000x128xf32, #tpu.memory_space<hbm>>
    tpu.enqueue_indirect_dma source(%dma_start3A_61 : memref<100000x128xf32, #tpu.memory_space<hbm>>) target(%dma_start3A_55 : memref<128x128xf32, #tpu.memory_space<vmem>>) offsets(%dma_start3A_58 : memref<128xi32, #tpu.memory_space<vmem>>) semaphore(%arg8 : memref<!tpu.dma_semaphore, #tpu.memory_space<semaphore_mem>>)
    %dma_start3A_62 = arith.constant 4 : i32
    %dma_start3A_63 = arith.constant 2 : i32
    %dma_start3A_64 = arith.constant 0 : i32
    %dma_start3A_65 = arith.constant 0 : i32
    %dma_start3A_66 = tpu.memref_slice %arg6[%dma_start3A_63, %dma_start3A_64, %dma_start3A_65] : memref<3x256x128xf32, #tpu.memory_space<vmem>> -> memref<1x256x128xf32, #tpu.memory_space<vmem>>
    %dma_start3A_67 = tpu.memref_squeeze %dma_start3A_66 : memref<1x256x128xf32, #tpu.memory_space<vmem>> -> memref<256x128xf32, #tpu.memory_space<vmem>>
    %dma_start3A_68 = arith.constant 0 : i32
    %dma_start3A_69 = arith.constant 0 : i32
    %dma_start3A_70 = tpu.memref_slice %dma_start3A_67[%dma_start3A_68, %dma_start3A_69] : memref<256x128xf32, #tpu.memory_space<vmem>> -> memref<128x128xf32, #tpu.memory_space<vmem>>
    %dma_start3A_71 = arith.constant 0 : i32
    %dma_start3A_72 = tpu.memref_slice %arg5[%dma_start3A_62, %dma_start3A_71] : memref<50x128xi32, #tpu.memory_space<vmem>> -> memref<1x128xi32, #tpu.memory_space<vmem>>
    %dma_start3A_73 = tpu.memref_squeeze %dma_start3A_72 : memref<1x128xi32, #tpu.memory_space<vmem>> -> memref<128xi32, #tpu.memory_space<vmem>>
    %dma_start3A_74 = arith.constant 0 : i32
    %dma_start3A_75 = arith.constant 0 : i32
    %dma_start3A_76 = tpu.memref_slice %arg3[%dma_start3A_74, %dma_start3A_75] : memref<100000x128xf32, #tpu.memory_space<hbm>> -> memref<100000x128xf32, #tpu.memory_space<hbm>>
    tpu.enqueue_indirect_dma source(%dma_start3A_76 : memref<100000x128xf32, #tpu.memory_space<hbm>>) target(%dma_start3A_70 : memref<128x128xf32, #tpu.memory_space<vmem>>) offsets(%dma_start3A_73 : memref<128xi32, #tpu.memory_space<vmem>>) semaphore(%arg9 : memref<!tpu.dma_semaphore, #tpu.memory_space<semaphore_mem>>)
    %dma_start3A_77 = arith.constant 5 : i32
    %dma_start3A_78 = arith.constant 2 : i32
    %dma_start3A_79 = arith.constant 0 : i32
    %dma_start3A_80 = arith.constant 0 : i32
    %dma_start3A_81 = tpu.memref_slice %arg6[%dma_start3A_78, %dma_start3A_79, %dma_start3A_80] : memref<3x256x128xf32, #tpu.memory_space<vmem>> -> memref<1x256x128xf32, #tpu.memory_space<vmem>>
    %dma_start3A_82 = tpu.memref_squeeze %dma_start3A_81 : memref<1x256x128xf32, #tpu.memory_space<vmem>> -> memref<256x128xf32, #tpu.memory_space<vmem>>
    %dma_start3A_83 = arith.constant 128 : i32
    %dma_start3A_84 = arith.constant 0 : i32
    %dma_start3A_85 = tpu.memref_slice %dma_start3A_82[%dma_start3A_83, %dma_start3A_84] : memref<256x128xf32, #tpu.memory_space<vmem>> -> memref<128x128xf32, #tpu.memory_space<vmem>>
    %dma_start3A_86 = arith.constant 0 : i32
    %dma_start3A_87 = tpu.memref_slice %arg5[%dma_start3A_77, %dma_start3A_86] : memref<50x128xi32, #tpu.memory_space<vmem>> -> memref<1x128xi32, #tpu.memory_space<vmem>>
    %dma_start3A_88 = tpu.memref_squeeze %dma_start3A_87 : memref<1x128xi32, #tpu.memory_space<vmem>> -> memref<128xi32, #tpu.memory_space<vmem>>
    %dma_start3A_89 = arith.constant 0 : i32
    %dma_start3A_90 = arith.constant 0 : i32
    %dma_start3A_91 = tpu.memref_slice %arg3[%dma_start3A_89, %dma_start3A_90] : memref<100000x128xf32, #tpu.memory_space<hbm>> -> memref<100000x128xf32, #tpu.memory_space<hbm>>
    tpu.enqueue_indirect_dma source(%dma_start3A_91 : memref<100000x128xf32, #tpu.memory_space<hbm>>) target(%dma_start3A_85 : memref<128x128xf32, #tpu.memory_space<vmem>>) offsets(%dma_start3A_88 : memref<128xi32, #tpu.memory_space<vmem>>) semaphore(%arg9 : memref<!tpu.dma_semaphore, #tpu.memory_space<semaphore_mem>>)
    %scan3A = arith.constant 0 : i32
    %scan3A_92 = arith.constant 0 : i32
    %scan3A_93 = arith.constant 9 : i32
    %scan3A_94 = arith.addi %scan3A_92, %scan3A_93 : i32
    %scan3A_95 = arith.constant 1 : i32
    scf.for %scan3A_97 = %scan3A_92 to %scan3A_94 step %scan3A_95  : i32 {
      %mul3A_98 = arith.constant 3 : i32
      %mul3A_99 = arith.muli %scan3A_97, %mul3A_98 : i32
      %add3A_100 = arith.constant 0 : i32
      %add3A_101 = arith.addi %mul3A_99, %add3A_100 : i32
      %lt3A = arith.constant 25 : i32
      %lt3A_102 = arith.cmpi slt, %add3A_101, %lt3A : i32
      %convert_element_type3A = arith.extui %lt3A_102 : i1 to i32
      %cond3A = arith.constant 0 : i32
      %cond3A_103 = arith.constant 0 : i32
      %cond3A_104 = arith.cmpi ne, %convert_element_type3A, %cond3A_103 : i32
      scf.if %cond3A_104 {
        %dma_wait3A = arith.constant 0 : i32
        %dma_wait3A_176 = arith.constant 0 : i32
        %dma_wait3A_177 = arith.constant 0 : i32
        %dma_wait3A_178 = arith.constant 0 : i32
        %dma_wait3A_179 = tpu.memref_slice %arg6[%dma_wait3A_176, %dma_wait3A_177, %dma_wait3A_178] : memref<3x256x128xf32, #tpu.memory_space<vmem>> -> memref<1x256x128xf32, #tpu.memory_space<vmem>>
        %dma_wait3A_180 = tpu.memref_squeeze %dma_wait3A_179 : memref<1x256x128xf32, #tpu.memory_space<vmem>> -> memref<256x128xf32, #tpu.memory_space<vmem>>
        %dma_wait3A_181 = arith.constant 0 : i32
        %dma_wait3A_182 = tpu.memref_slice %arg5[%dma_wait3A, %dma_wait3A_181] : memref<50x128xi32, #tpu.memory_space<vmem>> -> memref<1x128xi32, #tpu.memory_space<vmem>>
        %dma_wait3A_183 = tpu.memref_squeeze %dma_wait3A_182 : memref<1x128xi32, #tpu.memory_space<vmem>> -> memref<128xi32, #tpu.memory_space<vmem>>
        %dma_wait3A_184 = arith.constant 0 : i32
        %dma_wait3A_185 = arith.constant 0 : i32
        %dma_wait3A_186 = tpu.memref_slice %arg3[%dma_wait3A_184, %dma_wait3A_185] : memref<100000x128xf32, #tpu.memory_space<hbm>> -> memref<100000x128xf32, #tpu.memory_space<hbm>>
        tpu.wait_indirect_dma semaphore(%arg7 : memref<!tpu.dma_semaphore, #tpu.memory_space<semaphore_mem>>) src(%dma_wait3A_186 : memref<100000x128xf32, #tpu.memory_space<hbm>>) dst(%dma_wait3A_180 : memref<256x128xf32, #tpu.memory_space<vmem>>)
        %parallel_loop3A = arith.constant 0 : i32
        %parallel_loop3A_187 = arith.constant 256 : i32
        %parallel_loop3A_188 = arith.constant 1 : i32
        scf.for %parallel_loop3A_204 = %parallel_loop3A to %parallel_loop3A_187 step %parallel_loop3A_188  : i32 {
          %parallel_loop3A_205 = arith.constant 0 : i32
          %parallel_loop3A_206 = arith.constant 0 : i32
          %parallel_loop3A_207 = tpu.memref_slice %arg6[%cond3A, %parallel_loop3A_205, %parallel_loop3A_206] : memref<3x256x128xf32, #tpu.memory_space<vmem>> -> memref<1x256x128xf32, #tpu.memory_space<vmem>>
          %parallel_loop3A_208 = tpu.memref_squeeze %parallel_loop3A_207 : memref<1x256x128xf32, #tpu.memory_space<vmem>> -> memref<256x128xf32, #tpu.memory_space<vmem>>
          %parallel_loop3A_209 = arith.index_cast %parallel_loop3A_204 : i32 to index
          %parallel_loop3A_210 = arith.constant 0 : index
          %parallel_loop3A_211 = tpu.vector_load %parallel_loop3A_208[%parallel_loop3A_209, %parallel_loop3A_210] {strides = array<i32>} : memref<256x128xf32, #tpu.memory_space<vmem>>, vector<1x16xf32>,
          %parallel_loop3A_212 = vector.shape_cast %parallel_loop3A_211 : vector<1x16xf32> to vector<16xf32>
          %parallel_loop3A_213 = arith.constant 11.3137083 : f32
          %parallel_loop3A_214 = vector.broadcast %parallel_loop3A_213 : f32 to vector<16xf32>
          %parallel_loop3A_215 = arith.mulf %parallel_loop3A_212, %parallel_loop3A_214 : vector<16xf32>
          %parallel_loop3A_216 = arith.constant 0 : i32
          %parallel_loop3A_217 = arith.constant 0 : i32
          %parallel_loop3A_218 = tpu.memref_slice %arg6[%cond3A, %parallel_loop3A_216, %parallel_loop3A_217] : memref<3x256x128xf32, #tpu.memory_space<vmem>> -> memref<1x256x128xf32, #tpu.memory_space<vmem>>
          %parallel_loop3A_219 = tpu.memref_squeeze %parallel_loop3A_218 : memref<1x256x128xf32, #tpu.memory_space<vmem>> -> memref<256x128xf32, #tpu.memory_space<vmem>>
          %parallel_loop3A_220 = arith.index_cast %parallel_loop3A_204 : i32 to index
          %parallel_loop3A_221 = arith.constant 0 : index
          %parallel_loop3A_222 = tpu.vector_load %parallel_loop3A_219[%parallel_loop3A_220, %parallel_loop3A_221] {strides = array<i32>} : memref<256x128xf32, #tpu.memory_space<vmem>>, vector<1x16xf32>,
          %parallel_loop3A_223 = vector.shape_cast %parallel_loop3A_222 : vector<1x16xf32> to vector<16xf32>
          %parallel_loop3A_224 = vector.shape_cast %parallel_loop3A_215 : vector<16xf32> to vector<1x16xf32>
          tpu.vector_store %parallel_loop3A_219[%parallel_loop3A_220, %parallel_loop3A_221], %parallel_loop3A_224 {strides = array<i32>} : memref<256x128xf32, #tpu.memory_space<vmem>>, vector<1x16xf32>,
          %parallel_loop3A_225 = arith.constant 0 : i32
          %parallel_loop3A_226 = arith.constant 0 : i32
          %parallel_loop3A_227 = tpu.memref_slice %arg6[%cond3A, %parallel_loop3A_225, %parallel_loop3A_226] : memref<3x256x128xf32, #tpu.memory_space<vmem>> -> memref<1x256x128xf32, #tpu.memory_space<vmem>>
          %parallel_loop3A_228 = tpu.memref_squeeze %parallel_loop3A_227 : memref<1x256x128xf32, #tpu.memory_space<vmem>> -> memref<256x128xf32, #tpu.memory_space<vmem>>
          %parallel_loop3A_229 = arith.index_cast %parallel_loop3A_204 : i32 to index
          %parallel_loop3A_230 = arith.constant 16 : index
          %parallel_loop3A_231 = tpu.vector_load %parallel_loop3A_228[%parallel_loop3A_229, %parallel_loop3A_230] {strides = array<i32>} : memref<256x128xf32, #tpu.memory_space<vmem>>, vector<1x16xf32>,
          %parallel_loop3A_232 = vector.shape_cast %parallel_loop3A_231 : vector<1x16xf32> to vector<16xf32>
          %parallel_loop3A_233 = arith.constant 11.3137083 : f32
          %parallel_loop3A_234 = vector.broadcast %parallel_loop3A_233 : f32 to vector<16xf32>
          %parallel_loop3A_235 = arith.mulf %parallel_loop3A_232, %parallel_loop3A_234 : vector<16xf32>
          %parallel_loop3A_236 = arith.constant 0 : i32
          %parallel_loop3A_237 = arith.constant 0 : i32
          %parallel_loop3A_238 = tpu.memref_slice %arg6[%cond3A, %parallel_loop3A_236, %parallel_loop3A_237] : memref<3x256x128xf32, #tpu.memory_space<vmem>> -> memref<1x256x128xf32, #tpu.memory_space<vmem>>
          %parallel_loop3A_239 = tpu.memref_squeeze %parallel_loop3A_238 : memref<1x256x128xf32, #tpu.memory_space<vmem>> -> memref<256x128xf32, #tpu.memory_space<vmem>>
          %parallel_loop3A_240 = arith.index_cast %parallel_loop3A_204 : i32 to index
          %parallel_loop3A_241 = arith.constant 16 : index
          %parallel_loop3A_242 = tpu.vector_load %parallel_loop3A_239[%parallel_loop3A_240, %parallel_loop3A_241] {strides = array<i32>} : memref<256x128xf32, #tpu.memory_space<vmem>>, vector<1x16xf32>,
          %parallel_loop3A_243 = vector.shape_cast %parallel_loop3A_242 : vector<1x16xf32> to vector<16xf32>
          %parallel_loop3A_244 = vector.shape_cast %parallel_loop3A_235 : vector<16xf32> to vector<1x16xf32>
          tpu.vector_store %parallel_loop3A_239[%parallel_loop3A_240, %parallel_loop3A_241], %parallel_loop3A_244 {strides = array<i32>} : memref<256x128xf32, #tpu.memory_space<vmem>>, vector<1x16xf32>,
          %parallel_loop3A_245 = arith.constant 0 : i32
          %parallel_loop3A_246 = arith.constant 0 : i32
          %parallel_loop3A_247 = tpu.memref_slice %arg6[%cond3A, %parallel_loop3A_245, %parallel_loop3A_246] : memref<3x256x128xf32, #tpu.memory_space<vmem>> -> memref<1x256x128xf32, #tpu.memory_space<vmem>>
          %parallel_loop3A_248 = tpu.memref_squeeze %parallel_loop3A_247 : memref<1x256x128xf32, #tpu.memory_space<vmem>> -> memref<256x128xf32, #tpu.memory_space<vmem>>
          %parallel_loop3A_249 = arith.index_cast %parallel_loop3A_204 : i32 to index
          %parallel_loop3A_250 = arith.constant 32 : index
          %parallel_loop3A_251 = tpu.vector_load %parallel_loop3A_248[%parallel_loop3A_249, %parallel_loop3A_250] {strides = array<i32>} : memref<256x128xf32, #tpu.memory_space<vmem>>, vector<1x16xf32>,
          %parallel_loop3A_252 = vector.shape_cast %parallel_loop3A_251 : vector<1x16xf32> to vector<16xf32>
          %parallel_loop3A_253 = arith.constant 11.3137083 : f32
          %parallel_loop3A_254 = vector.broadcast %parallel_loop3A_253 : f32 to vector<16xf32>
          %parallel_loop3A_255 = arith.mulf %parallel_loop3A_252, %parallel_loop3A_254 : vector<16xf32>
          %parallel_loop3A_256 = arith.constant 0 : i32
          %parallel_loop3A_257 = arith.constant 0 : i32
          %parallel_loop3A_258 = tpu.memref_slice %arg6[%cond3A, %parallel_loop3A_256, %parallel_loop3A_257] : memref<3x256x128xf32, #tpu.memory_space<vmem>> -> memref<1x256x128xf32, #tpu.memory_space<vmem>>
          %parallel_loop3A_259 = tpu.memref_squeeze %parallel_loop3A_258 : memref<1x256x128xf32, #tpu.memory_space<vmem>> -> memref<256x128xf32, #tpu.memory_space<vmem>>
          %parallel_loop3A_260 = arith.index_cast %parallel_loop3A_204 : i32 to index
          %parallel_loop3A_261 = arith.constant 32 : index
          %parallel_loop3A_262 = tpu.vector_load %parallel_loop3A_259[%parallel_loop3A_260, %parallel_loop3A_261] {strides = array<i32>} : memref<256x128xf32, #tpu.memory_space<vmem>>, vector<1x16xf32>,
          %parallel_loop3A_263 = vector.shape_cast %parallel_loop3A_262 : vector<1x16xf32> to vector<16xf32>
          %parallel_loop3A_264 = vector.shape_cast %parallel_loop3A_255 : vector<16xf32> to vector<1x16xf32>
          tpu.vector_store %parallel_loop3A_259[%parallel_loop3A_260, %parallel_loop3A_261], %parallel_loop3A_264 {strides = array<i32>} : memref<256x128xf32, #tpu.memory_space<vmem>>, vector<1x16xf32>,
          %parallel_loop3A_265 = arith.constant 0 : i32
          %parallel_loop3A_266 = arith.constant 0 : i32
          %parallel_loop3A_267 = tpu.memref_slice %arg6[%cond3A, %parallel_loop3A_265, %parallel_loop3A_266] : memref<3x256x128xf32, #tpu.memory_space<vmem>> -> memref<1x256x128xf32, #tpu.memory_space<vmem>>
          %parallel_loop3A_268 = tpu.memref_squeeze %parallel_loop3A_267 : memref<1x256x128xf32, #tpu.memory_space<vmem>> -> memref<256x128xf32, #tpu.memory_space<vmem>>
          %parallel_loop3A_269 = arith.index_cast %parallel_loop3A_204 : i32 to index
          %parallel_loop3A_270 = arith.constant 48 : index
          %parallel_loop3A_271 = tpu.vector_load %parallel_loop3A_268[%parallel_loop3A_269, %parallel_loop3A_270] {strides = array<i32>} : memref<256x128xf32, #tpu.memory_space<vmem>>, vector<1x16xf32>,
          %parallel_loop3A_272 = vector.shape_cast %parallel_loop3A_271 : vector<1x16xf32> to vector<16xf32>
          %parallel_loop3A_273 = arith.constant 11.3137083 : f32
          %parallel_loop3A_274 = vector.broadcast %parallel_loop3A_273 : f32 to vector<16xf32>
          %parallel_loop3A_275 = arith.mulf %parallel_loop3A_272, %parallel_loop3A_274 : vector<16xf32>
          %parallel_loop3A_276 = arith.constant 0 : i32
          %parallel_loop3A_277 = arith.constant 0 : i32
          %parallel_loop3A_278 = tpu.memref_slice %arg6[%cond3A, %parallel_loop3A_276, %parallel_loop3A_277] : memref<3x256x128xf32, #tpu.memory_space<vmem>> -> memref<1x256x128xf32, #tpu.memory_space<vmem>>
          %parallel_loop3A_279 = tpu.memref_squeeze %parallel_loop3A_278 : memref<1x256x128xf32, #tpu.memory_space<vmem>> -> memref<256x128xf32, #tpu.memory_space<vmem>>
          %parallel_loop3A_280 = arith.index_cast %parallel_loop3A_204 : i32 to index
          %parallel_loop3A_281 = arith.constant 48 : index
          %parallel_loop3A_282 = tpu.vector_load %parallel_loop3A_279[%parallel_loop3A_280, %parallel_loop3A_281] {strides = array<i32>} : memref<256x128xf32, #tpu.memory_space<vmem>>, vector<1x16xf32>,
          %parallel_loop3A_283 = vector.shape_cast %parallel_loop3A_282 : vector<1x16xf32> to vector<16xf32>
          %parallel_loop3A_284 = vector.shape_cast %parallel_loop3A_275 : vector<16xf32> to vector<1x16xf32>
          tpu.vector_store %parallel_loop3A_279[%parallel_loop3A_280, %parallel_loop3A_281], %parallel_loop3A_284 {strides = array<i32>} : memref<256x128xf32, #tpu.memory_space<vmem>>, vector<1x16xf32>,
          %parallel_loop3A_285 = arith.constant 0 : i32
          %parallel_loop3A_286 = arith.constant 0 : i32
          %parallel_loop3A_287 = tpu.memref_slice %arg6[%cond3A, %parallel_loop3A_285, %parallel_loop3A_286] : memref<3x256x128xf32, #tpu.memory_space<vmem>> -> memref<1x256x128xf32, #tpu.memory_space<vmem>>
          %parallel_loop3A_288 = tpu.memref_squeeze %parallel_loop3A_287 : memref<1x256x128xf32, #tpu.memory_space<vmem>> -> memref<256x128xf32, #tpu.memory_space<vmem>>
          %parallel_loop3A_289 = arith.index_cast %parallel_loop3A_204 : i32 to index
          %parallel_loop3A_290 = arith.constant 64 : index
          %parallel_loop3A_291 = tpu.vector_load %parallel_loop3A_288[%parallel_loop3A_289, %parallel_loop3A_290] {strides = array<i32>} : memref<256x128xf32, #tpu.memory_space<vmem>>, vector<1x16xf32>,
          %parallel_loop3A_292 = vector.shape_cast %parallel_loop3A_291 : vector<1x16xf32> to vector<16xf32>
          %parallel_loop3A_293 = arith.constant 11.3137083 : f32
          %parallel_loop3A_294 = vector.broadcast %parallel_loop3A_293 : f32 to vector<16xf32>
          %parallel_loop3A_295 = arith.mulf %parallel_loop3A_292, %parallel_loop3A_294 : vector<16xf32>
          %parallel_loop3A_296 = arith.constant 0 : i32
          %parallel_loop3A_297 = arith.constant 0 : i32
          %parallel_loop3A_298 = tpu.memref_slice %arg6[%cond3A, %parallel_loop3A_296, %parallel_loop3A_297] : memref<3x256x128xf32, #tpu.memory_space<vmem>> -> memref<1x256x128xf32, #tpu.memory_space<vmem>>
          %parallel_loop3A_299 = tpu.memref_squeeze %parallel_loop3A_298 : memref<1x256x128xf32, #tpu.memory_space<vmem>> -> memref<256x128xf32, #tpu.memory_space<vmem>>
          %parallel_loop3A_300 = arith.index_cast %parallel_loop3A_204 : i32 to index
          %parallel_loop3A_301 = arith.constant 64 : index
          %parallel_loop3A_302 = tpu.vector_load %parallel_loop3A_299[%parallel_loop3A_300, %parallel_loop3A_301] {strides = array<i32>} : memref<256x128xf32, #tpu.memory_space<vmem>>, vector<1x16xf32>,
          %parallel_loop3A_303 = vector.shape_cast %parallel_loop3A_302 : vector<1x16xf32> to vector<16xf32>
          %parallel_loop3A_304 = vector.shape_cast %parallel_loop3A_295 : vector<16xf32> to vector<1x16xf32>
          tpu.vector_store %parallel_loop3A_299[%parallel_loop3A_300, %parallel_loop3A_301], %parallel_loop3A_304 {strides = array<i32>} : memref<256x128xf32, #tpu.memory_space<vmem>>, vector<1x16xf32>,
          %parallel_loop3A_305 = arith.constant 0 : i32
          %parallel_loop3A_306 = arith.constant 0 : i32
          %parallel_loop3A_307 = tpu.memref_slice %arg6[%cond3A, %parallel_loop3A_305, %parallel_loop3A_306] : memref<3x256x128xf32, #tpu.memory_space<vmem>> -> memref<1x256x128xf32, #tpu.memory_space<vmem>>
          %parallel_loop3A_308 = tpu.memref_squeeze %parallel_loop3A_307 : memref<1x256x128xf32, #tpu.memory_space<vmem>> -> memref<256x128xf32, #tpu.memory_space<vmem>>
          %parallel_loop3A_309 = arith.index_cast %parallel_loop3A_204 : i32 to index
          %parallel_loop3A_310 = arith.constant 80 : index
          %parallel_loop3A_311 = tpu.vector_load %parallel_loop3A_308[%parallel_loop3A_309, %parallel_loop3A_310] {strides = array<i32>} : memref<256x128xf32, #tpu.memory_space<vmem>>, vector<1x16xf32>,
          %parallel_loop3A_312 = vector.shape_cast %parallel_loop3A_311 : vector<1x16xf32> to vector<16xf32>
          %parallel_loop3A_313 = arith.constant 11.3137083 : f32
          %parallel_loop3A_314 = vector.broadcast %parallel_loop3A_313 : f32 to vector<16xf32>
          %parallel_loop3A_315 = arith.mulf %parallel_loop3A_312, %parallel_loop3A_314 : vector<16xf32>
          %parallel_loop3A_316 = arith.constant 0 : i32
          %parallel_loop3A_317 = arith.constant 0 : i32
          %parallel_loop3A_318 = tpu.memref_slice %arg6[%cond3A, %parallel_loop3A_316, %parallel_loop3A_317] : memref<3x256x128xf32, #tpu.memory_space<vmem>> -> memref<1x256x128xf32, #tpu.memory_space<vmem>>
          %parallel_loop3A_319 = tpu.memref_squeeze %parallel_loop3A_318 : memref<1x256x128xf32, #tpu.memory_space<vmem>> -> memref<256x128xf32, #tpu.memory_space<vmem>>
          %parallel_loop3A_320 = arith.index_cast %parallel_loop3A_204 : i32 to index
          %parallel_loop3A_321 = arith.constant 80 : index
          %parallel_loop3A_322 = tpu.vector_load %parallel_loop3A_319[%parallel_loop3A_320, %parallel_loop3A_321] {strides = array<i32>} : memref<256x128xf32, #tpu.memory_space<vmem>>, vector<1x16xf32>,
          %parallel_loop3A_323 = vector.shape_cast %parallel_loop3A_322 : vector<1x16xf32> to vector<16xf32>
          %parallel_loop3A_324 = vector.shape_cast %parallel_loop3A_315 : vector<16xf32> to vector<1x16xf32>
          tpu.vector_store %parallel_loop3A_319[%parallel_loop3A_320, %parallel_loop3A_321], %parallel_loop3A_324 {strides = array<i32>} : memref<256x128xf32, #tpu.memory_space<vmem>>, vector<1x16xf32>,
          %parallel_loop3A_325 = arith.constant 0 : i32
          %parallel_loop3A_326 = arith.constant 0 : i32
          %parallel_loop3A_327 = tpu.memref_slice %arg6[%cond3A, %parallel_loop3A_325, %parallel_loop3A_326] : memref<3x256x128xf32, #tpu.memory_space<vmem>> -> memref<1x256x128xf32, #tpu.memory_space<vmem>>
          %parallel_loop3A_328 = tpu.memref_squeeze %parallel_loop3A_327 : memref<1x256x128xf32, #tpu.memory_space<vmem>> -> memref<256x128xf32, #tpu.memory_space<vmem>>
          %parallel_loop3A_329 = arith.index_cast %parallel_loop3A_204 : i32 to index
          %parallel_loop3A_330 = arith.constant 96 : index
          %parallel_loop3A_331 = tpu.vector_load %parallel_loop3A_328[%parallel_loop3A_329, %parallel_loop3A_330] {strides = array<i32>} : memref<256x128xf32, #tpu.memory_space<vmem>>, vector<1x16xf32>,
          %parallel_loop3A_332 = vector.shape_cast %parallel_loop3A_331 : vector<1x16xf32> to vector<16xf32>
          %parallel_loop3A_333 = arith.constant 11.3137083 : f32
          %parallel_loop3A_334 = vector.broadcast %parallel_loop3A_333 : f32 to vector<16xf32>
          %parallel_loop3A_335 = arith.mulf %parallel_loop3A_332, %parallel_loop3A_334 : vector<16xf32>
          %parallel_loop3A_336 = arith.constant 0 : i32
          %parallel_loop3A_337 = arith.constant 0 : i32
          %parallel_loop3A_338 = tpu.memref_slice %arg6[%cond3A, %parallel_loop3A_336, %parallel_loop3A_337] : memref<3x256x128xf32, #tpu.memory_space<vmem>> -> memref<1x256x128xf32, #tpu.memory_space<vmem>>
          %parallel_loop3A_339 = tpu.memref_squeeze %parallel_loop3A_338 : memref<1x256x128xf32, #tpu.memory_space<vmem>> -> memref<256x128xf32, #tpu.memory_space<vmem>>
          %parallel_loop3A_340 = arith.index_cast %parallel_loop3A_204 : i32 to index
          %parallel_loop3A_341 = arith.constant 96 : index
          %parallel_loop3A_342 = tpu.vector_load %parallel_loop3A_339[%parallel_loop3A_340, %parallel_loop3A_341] {strides = array<i32>} : memref<256x128xf32, #tpu.memory_space<vmem>>, vector<1x16xf32>,
          %parallel_loop3A_343 = vector.shape_cast %parallel_loop3A_342 : vector<1x16xf32> to vector<16xf32>
          %parallel_loop3A_344 = vector.shape_cast %parallel_loop3A_335 : vector<16xf32> to vector<1x16xf32>
          tpu.vector_store %parallel_loop3A_339[%parallel_loop3A_340, %parallel_loop3A_341], %parallel_loop3A_344 {strides = array<i32>} : memref<256x128xf32, #tpu.memory_space<vmem>>, vector<1x16xf32>,
          %parallel_loop3A_345 = arith.constant 0 : i32
          %parallel_loop3A_346 = arith.constant 0 : i32
          %parallel_loop3A_347 = tpu.memref_slice %arg6[%cond3A, %parallel_loop3A_345, %parallel_loop3A_346] : memref<3x256x128xf32, #tpu.memory_space<vmem>> -> memref<1x256x128xf32, #tpu.memory_space<vmem>>
          %parallel_loop3A_348 = tpu.memref_squeeze %parallel_loop3A_347 : memref<1x256x128xf32, #tpu.memory_space<vmem>> -> memref<256x128xf32, #tpu.memory_space<vmem>>
          %parallel_loop3A_349 = arith.index_cast %parallel_loop3A_204 : i32 to index
          %parallel_loop3A_350 = arith.constant 112 : index
          %parallel_loop3A_351 = tpu.vector_load %parallel_loop3A_348[%parallel_loop3A_349, %parallel_loop3A_350] {strides = array<i32>} : memref<256x128xf32, #tpu.memory_space<vmem>>, vector<1x16xf32>,
          %parallel_loop3A_352 = vector.shape_cast %parallel_loop3A_351 : vector<1x16xf32> to vector<16xf32>
          %parallel_loop3A_353 = arith.constant 11.3137083 : f32
          %parallel_loop3A_354 = vector.broadcast %parallel_loop3A_353 : f32 to vector<16xf32>
          %parallel_loop3A_355 = arith.mulf %parallel_loop3A_352, %parallel_loop3A_354 : vector<16xf32>
          %parallel_loop3A_356 = arith.constant 0 : i32
          %parallel_loop3A_357 = arith.constant 0 : i32
          %parallel_loop3A_358 = tpu.memref_slice %arg6[%cond3A, %parallel_loop3A_356, %parallel_loop3A_357] : memref<3x256x128xf32, #tpu.memory_space<vmem>> -> memref<1x256x128xf32, #tpu.memory_space<vmem>>
          %parallel_loop3A_359 = tpu.memref_squeeze %parallel_loop3A_358 : memref<1x256x128xf32, #tpu.memory_space<vmem>> -> memref<256x128xf32, #tpu.memory_space<vmem>>
          %parallel_loop3A_360 = arith.index_cast %parallel_loop3A_204 : i32 to index
          %parallel_loop3A_361 = arith.constant 112 : index
          %parallel_loop3A_362 = tpu.vector_load %parallel_loop3A_359[%parallel_loop3A_360, %parallel_loop3A_361] {strides = array<i32>} : memref<256x128xf32, #tpu.memory_space<vmem>>, vector<1x16xf32>,
          %parallel_loop3A_363 = vector.shape_cast %parallel_loop3A_362 : vector<1x16xf32> to vector<16xf32>
          %parallel_loop3A_364 = vector.shape_cast %parallel_loop3A_355 : vector<16xf32> to vector<1x16xf32>
          tpu.vector_store %parallel_loop3A_359[%parallel_loop3A_360, %parallel_loop3A_361], %parallel_loop3A_364 {strides = array<i32>} : memref<256x128xf32, #tpu.memory_space<vmem>>, vector<1x16xf32>,
        } {sc.loop_unroll_factor = 4 : i64, sc.parallel_access}
        %add3A_189 = arith.addi %mul3A_2, %add3A_101 : i32
        %mul3A_190 = arith.constant 256 : i32
        %mul3A_191 = arith.muli %add3A_189, %mul3A_190 : i32
        %dma_start3A_192 = arith.constant 0 : i32
        %dma_start3A_193 = arith.constant 0 : i32
        %dma_start3A_194 = tpu.memref_slice %arg6[%cond3A, %dma_start3A_192, %dma_start3A_193] : memref<3x256x128xf32, #tpu.memory_space<vmem>> -> memref<1x256x128xf32, #tpu.memory_space<vmem>>
        %dma_start3A_195 = tpu.memref_squeeze %dma_start3A_194 : memref<1x256x128xf32, #tpu.memory_space<vmem>> -> memref<256x128xf32, #tpu.memory_space<vmem>>
        %dma_start3A_196 = arith.constant 0 : i32
        %dma_start3A_197 = tpu.memref_slice %arg4[%mul3A_191, %dma_start3A_196] : memref<204800x128xf32, #tpu.memory_space<hbm>> -> memref<256x128xf32, #tpu.memory_space<hbm>>
        %dma_start3A_198 = arith.constant 0 : i32
        %dma_start3A_199 = tpu.memref_slice %arg4[%mul3A_191, %dma_start3A_198] : memref<204800x128xf32, #tpu.memory_space<hbm>> -> memref<256x128xf32, #tpu.memory_space<hbm>>
        %dma_start3A_200 = arith.constant 0 : i32
        %dma_start3A_201 = arith.constant 0 : i32
        %dma_start3A_202 = tpu.memref_slice %arg6[%cond3A, %dma_start3A_200, %dma_start3A_201] : memref<3x256x128xf32, #tpu.memory_space<vmem>> -> memref<1x256x128xf32, #tpu.memory_space<vmem>>
        %dma_start3A_203 = tpu.memref_squeeze %dma_start3A_202 : memref<1x256x128xf32, #tpu.memory_space<vmem>> -> memref<256x128xf32, #tpu.memory_space<vmem>>
        tpu.enqueue_dma source(%dma_start3A_203 : memref<256x128xf32, #tpu.memory_space<vmem>>) target(%dma_start3A_199 : memref<256x128xf32, #tpu.memory_space<hbm>>) target_semaphore(%arg10 : memref<!tpu.dma_semaphore, #tpu.memory_space<semaphore_mem>>)
      } else {
      }
      %ge3A = arith.constant 1 : i32
      %ge3A_105 = arith.cmpi sge, %add3A_101, %ge3A : i32
      %le3A = arith.constant 25 : i32
      %le3A_106 = arith.cmpi sle, %add3A_101, %le3A : i32
      %and3A = arith.andi %ge3A_105, %le3A_106 : i1
      %convert_element_type3A_107 = arith.extui %and3A : i1 to i32
      %cond3A_108 = arith.constant 0 : i32
      %cond3A_109 = arith.cmpi ne, %convert_element_type3A_107, %cond3A_108 : i32
      scf.if %cond3A_109 {
        %dma_wait3A = arith.constant 2 : i32
        %dma_wait3A_176 = arith.constant 0 : i32
        %dma_wait3A_177 = arith.constant 0 : i32
        %dma_wait3A_178 = tpu.memref_slice %arg6[%dma_wait3A, %dma_wait3A_176, %dma_wait3A_177] : memref<3x256x128xf32, #tpu.memory_space<vmem>> -> memref<1x256x128xf32, #tpu.memory_space<vmem>>
        %dma_wait3A_179 = tpu.memref_squeeze %dma_wait3A_178 : memref<1x256x128xf32, #tpu.memory_space<vmem>> -> memref<256x128xf32, #tpu.memory_space<vmem>>
        %dma_wait3A_180 = arith.constant 0 : i32
        %dma_wait3A_181 = arith.constant 0 : i32
        %dma_wait3A_182 = tpu.memref_slice %arg4[%dma_wait3A_180, %dma_wait3A_181] : memref<204800x128xf32, #tpu.memory_space<hbm>> -> memref<256x128xf32, #tpu.memory_space<hbm>>
        %dma_wait3A_183 = arith.constant 0 : i32
        %dma_wait3A_184 = arith.constant 0 : i32
        %dma_wait3A_185 = tpu.memref_slice %arg4[%dma_wait3A_183, %dma_wait3A_184] : memref<204800x128xf32, #tpu.memory_space<hbm>> -> memref<256x128xf32, #tpu.memory_space<hbm>>
        %dma_wait3A_186 = arith.constant 0 : i32
        %dma_wait3A_187 = arith.constant 0 : i32
        %dma_wait3A_188 = tpu.memref_slice %arg6[%dma_wait3A, %dma_wait3A_186, %dma_wait3A_187] : memref<3x256x128xf32, #tpu.memory_space<vmem>> -> memref<1x256x128xf32, #tpu.memory_space<vmem>>
        %dma_wait3A_189 = tpu.memref_squeeze %dma_wait3A_188 : memref<1x256x128xf32, #tpu.memory_space<vmem>> -> memref<256x128xf32, #tpu.memory_space<vmem>>
        tpu.wait_dma2 semaphore(%arg12 : memref<!tpu.dma_semaphore, #tpu.memory_space<semaphore_mem>>) src(%dma_wait3A_189 : memref<256x128xf32, #tpu.memory_space<vmem>>) dst(%dma_wait3A_185 : memref<256x128xf32, #tpu.memory_space<hbm>>)
      } else {
      }
      %ge3A_110 = arith.constant 1 : i32
      %ge3A_111 = arith.cmpi sge, %add3A_101, %ge3A_110 : i32
      %add3A_112 = arith.constant 2 : i32
      %add3A_113 = arith.addi %add3A_101, %add3A_112 : i32
      %lt3A_114 = arith.constant 25 : i32
      %lt3A_115 = arith.cmpi slt, %add3A_113, %lt3A_114 : i32
      %and3A_116 = arith.andi %ge3A_111, %lt3A_115 : i1
      %convert_element_type3A_117 = arith.extui %and3A_116 : i1 to i32
      %cond3A_118 = arith.constant 0 : i32
      %cond3A_119 = arith.cmpi ne, %convert_element_type3A_117, %cond3A_118 : i32
      scf.if %cond3A_119 {
        %add3A_176 = arith.constant 2 : i32
        %add3A_177 = arith.addi %add3A_101, %add3A_176 : i32
        %mul3A_178 = arith.constant 2 : i32
        %mul3A_179 = arith.muli %add3A_177, %mul3A_178 : i32
        %add3A_180 = arith.constant 0 : i32
        %add3A_181 = arith.addi %mul3A_179, %add3A_180 : i32
        %dma_start3A_182 = arith.constant 2 : i32
        %dma_start3A_183 = arith.constant 0 : i32
        %dma_start3A_184 = arith.constant 0 : i32
        %dma_start3A_185 = tpu.memref_slice %arg6[%dma_start3A_182, %dma_start3A_183, %dma_start3A_184] : memref<3x256x128xf32, #tpu.memory_space<vmem>> -> memref<1x256x128xf32, #tpu.memory_space<vmem>>
        %dma_start3A_186 = tpu.memref_squeeze %dma_start3A_185 : memref<1x256x128xf32, #tpu.memory_space<vmem>> -> memref<256x128xf32, #tpu.memory_space<vmem>>
        %dma_start3A_187 = arith.constant 0 : i32
        %dma_start3A_188 = arith.constant 0 : i32
        %dma_start3A_189 = tpu.memref_slice %dma_start3A_186[%dma_start3A_187, %dma_start3A_188] : memref<256x128xf32, #tpu.memory_space<vmem>> -> memref<128x128xf32, #tpu.memory_space<vmem>>
        %dma_start3A_190 = arith.constant 0 : i32
        %dma_start3A_191 = tpu.memref_slice %arg5[%add3A_181, %dma_start3A_190] : memref<50x128xi32, #tpu.memory_space<vmem>> -> memref<1x128xi32, #tpu.memory_space<vmem>>
        %dma_start3A_192 = tpu.memref_squeeze %dma_start3A_191 : memref<1x128xi32, #tpu.memory_space<vmem>> -> memref<128xi32, #tpu.memory_space<vmem>>
        %dma_start3A_193 = arith.constant 0 : i32
        %dma_start3A_194 = arith.constant 0 : i32
        %dma_start3A_195 = tpu.memref_slice %arg3[%dma_start3A_193, %dma_start3A_194] : memref<100000x128xf32, #tpu.memory_space<hbm>> -> memref<100000x128xf32, #tpu.memory_space<hbm>>
        tpu.enqueue_indirect_dma source(%dma_start3A_195 : memref<100000x128xf32, #tpu.memory_space<hbm>>) target(%dma_start3A_189 : memref<128x128xf32, #tpu.memory_space<vmem>>) offsets(%dma_start3A_192 : memref<128xi32, #tpu.memory_space<vmem>>) semaphore(%arg9 : memref<!tpu.dma_semaphore, #tpu.memory_space<semaphore_mem>>)
        %mul3A_196 = arith.constant 2 : i32
        %mul3A_197 = arith.muli %add3A_177, %mul3A_196 : i32
        %add3A_198 = arith.constant 1 : i32
        %add3A_199 = arith.addi %mul3A_197, %add3A_198 : i32
        %dma_start3A_200 = arith.constant 2 : i32
        %dma_start3A_201 = arith.constant 0 : i32
        %dma_start3A_202 = arith.constant 0 : i32
        %dma_start3A_203 = tpu.memref_slice %arg6[%dma_start3A_200, %dma_start3A_201, %dma_start3A_202] : memref<3x256x128xf32, #tpu.memory_space<vmem>> -> memref<1x256x128xf32, #tpu.memory_space<vmem>>
        %dma_start3A_204 = tpu.memref_squeeze %dma_start3A_203 : memref<1x256x128xf32, #tpu.memory_space<vmem>> -> memref<256x128xf32, #tpu.memory_space<vmem>>
        %dma_start3A_205 = arith.constant 128 : i32
        %dma_start3A_206 = arith.constant 0 : i32
        %dma_start3A_207 = tpu.memref_slice %dma_start3A_204[%dma_start3A_205, %dma_start3A_206] : memref<256x128xf32, #tpu.memory_space<vmem>> -> memref<128x128xf32, #tpu.memory_space<vmem>>
        %dma_start3A_208 = arith.constant 0 : i32
        %dma_start3A_209 = tpu.memref_slice %arg5[%add3A_199, %dma_start3A_208] : memref<50x128xi32, #tpu.memory_space<vmem>> -> memref<1x128xi32, #tpu.memory_space<vmem>>
        %dma_start3A_210 = tpu.memref_squeeze %dma_start3A_209 : memref<1x128xi32, #tpu.memory_space<vmem>> -> memref<128xi32, #tpu.memory_space<vmem>>
        %dma_start3A_211 = arith.constant 0 : i32
        %dma_start3A_212 = arith.constant 0 : i32
        %dma_start3A_213 = tpu.memref_slice %arg3[%dma_start3A_211, %dma_start3A_212] : memref<100000x128xf32, #tpu.memory_space<hbm>> -> memref<100000x128xf32, #tpu.memory_space<hbm>>
        tpu.enqueue_indirect_dma source(%dma_start3A_213 : memref<100000x128xf32, #tpu.memory_space<hbm>>) target(%dma_start3A_207 : memref<128x128xf32, #tpu.memory_space<vmem>>) offsets(%dma_start3A_210 : memref<128xi32, #tpu.memory_space<vmem>>) semaphore(%arg9 : memref<!tpu.dma_semaphore, #tpu.memory_space<semaphore_mem>>)
      } else {
      }
      %mul3A_120 = arith.constant 3 : i32
      %mul3A_121 = arith.muli %scan3A_97, %mul3A_120 : i32
      %add3A_122 = arith.constant 1 : i32
      %add3A_123 = arith.addi %mul3A_121, %add3A_122 : i32
      %lt3A_124 = arith.constant 25 : i32
      %lt3A_125 = arith.cmpi slt, %add3A_123, %lt3A_124 : i32
      %convert_element_type3A_126 = arith.extui %lt3A_125 : i1 to i32
      %cond3A_127 = arith.constant 1 : i32
      %cond3A_128 = arith.constant 0 : i32
      %cond3A_129 = arith.cmpi ne, %convert_element_type3A_126, %cond3A_128 : i32
      scf.if %cond3A_129 {
        %dma_wait3A = arith.constant 0 : i32
        %dma_wait3A_176 = arith.constant 1 : i32
        %dma_wait3A_177 = arith.constant 0 : i32
        %dma_wait3A_178 = arith.constant 0 : i32
        %dma_wait3A_179 = tpu.memref_slice %arg6[%dma_wait3A_176, %dma_wait3A_177, %dma_wait3A_178] : memref<3x256x128xf32, #tpu.memory_space<vmem>> -> memref<1x256x128xf32, #tpu.memory_space<vmem>>
        %dma_wait3A_180 = tpu.memref_squeeze %dma_wait3A_179 : memref<1x256x128xf32, #tpu.memory_space<vmem>> -> memref<256x128xf32, #tpu.memory_space<vmem>>
        %dma_wait3A_181 = arith.constant 0 : i32
        %dma_wait3A_182 = tpu.memref_slice %arg5[%dma_wait3A, %dma_wait3A_181] : memref<50x128xi32, #tpu.memory_space<vmem>> -> memref<1x128xi32, #tpu.memory_space<vmem>>
        %dma_wait3A_183 = tpu.memref_squeeze %dma_wait3A_182 : memref<1x128xi32, #tpu.memory_space<vmem>> -> memref<128xi32, #tpu.memory_space<vmem>>
        %dma_wait3A_184 = arith.constant 0 : i32
        %dma_wait3A_185 = arith.constant 0 : i32
        %dma_wait3A_186 = tpu.memref_slice %arg3[%dma_wait3A_184, %dma_wait3A_185] : memref<100000x128xf32, #tpu.memory_space<hbm>> -> memref<100000x128xf32, #tpu.memory_space<hbm>>
        tpu.wait_indirect_dma semaphore(%arg8 : memref<!tpu.dma_semaphore, #tpu.memory_space<semaphore_mem>>) src(%dma_wait3A_186 : memref<100000x128xf32, #tpu.memory_space<hbm>>) dst(%dma_wait3A_180 : memref<256x128xf32, #tpu.memory_space<vmem>>)
        %parallel_loop3A = arith.constant 0 : i32
        %parallel_loop3A_187 = arith.constant 256 : i32
        %parallel_loop3A_188 = arith.constant 1 : i32
        scf.for %parallel_loop3A_204 = %parallel_loop3A to %parallel_loop3A_187 step %parallel_loop3A_188  : i32 {
          %parallel_loop3A_205 = arith.constant 0 : i32
          %parallel_loop3A_206 = arith.constant 0 : i32
          %parallel_loop3A_207 = tpu.memref_slice %arg6[%cond3A_127, %parallel_loop3A_205, %parallel_loop3A_206] : memref<3x256x128xf32, #tpu.memory_space<vmem>> -> memref<1x256x128xf32, #tpu.memory_space<vmem>>
          %parallel_loop3A_208 = tpu.memref_squeeze %parallel_loop3A_207 : memref<1x256x128xf32, #tpu.memory_space<vmem>> -> memref<256x128xf32, #tpu.memory_space<vmem>>
          %parallel_loop3A_209 = arith.index_cast %parallel_loop3A_204 : i32 to index
          %parallel_loop3A_210 = arith.constant 0 : index
          %parallel_loop3A_211 = tpu.vector_load %parallel_loop3A_208[%parallel_loop3A_209, %parallel_loop3A_210] {strides = array<i32>} : memref<256x128xf32, #tpu.memory_space<vmem>>, vector<1x16xf32>,
          %parallel_loop3A_212 = vector.shape_cast %parallel_loop3A_211 : vector<1x16xf32> to vector<16xf32>
          %parallel_loop3A_213 = arith.constant 11.3137083 : f32
          %parallel_loop3A_214 = vector.broadcast %parallel_loop3A_213 : f32 to vector<16xf32>
          %parallel_loop3A_215 = arith.mulf %parallel_loop3A_212, %parallel_loop3A_214 : vector<16xf32>
          %parallel_loop3A_216 = arith.constant 0 : i32
          %parallel_loop3A_217 = arith.constant 0 : i32
          %parallel_loop3A_218 = tpu.memref_slice %arg6[%cond3A_127, %parallel_loop3A_216, %parallel_loop3A_217] : memref<3x256x128xf32, #tpu.memory_space<vmem>> -> memref<1x256x128xf32, #tpu.memory_space<vmem>>
          %parallel_loop3A_219 = tpu.memref_squeeze %parallel_loop3A_218 : memref<1x256x128xf32, #tpu.memory_space<vmem>> -> memref<256x128xf32, #tpu.memory_space<vmem>>
          %parallel_loop3A_220 = arith.index_cast %parallel_loop3A_204 : i32 to index
          %parallel_loop3A_221 = arith.constant 0 : index
          %parallel_loop3A_222 = tpu.vector_load %parallel_loop3A_219[%parallel_loop3A_220, %parallel_loop3A_221] {strides = array<i32>} : memref<256x128xf32, #tpu.memory_space<vmem>>, vector<1x16xf32>,
          %parallel_loop3A_223 = vector.shape_cast %parallel_loop3A_222 : vector<1x16xf32> to vector<16xf32>
          %parallel_loop3A_224 = vector.shape_cast %parallel_loop3A_215 : vector<16xf32> to vector<1x16xf32>
          tpu.vector_store %parallel_loop3A_219[%parallel_loop3A_220, %parallel_loop3A_221], %parallel_loop3A_224 {strides = array<i32>} : memref<256x128xf32, #tpu.memory_space<vmem>>, vector<1x16xf32>,
          %parallel_loop3A_225 = arith.constant 0 : i32
          %parallel_loop3A_226 = arith.constant 0 : i32
          %parallel_loop3A_227 = tpu.memref_slice %arg6[%cond3A_127, %parallel_loop3A_225, %parallel_loop3A_226] : memref<3x256x128xf32, #tpu.memory_space<vmem>> -> memref<1x256x128xf32, #tpu.memory_space<vmem>>
          %parallel_loop3A_228 = tpu.memref_squeeze %parallel_loop3A_227 : memref<1x256x128xf32, #tpu.memory_space<vmem>> -> memref<256x128xf32, #tpu.memory_space<vmem>>
          %parallel_loop3A_229 = arith.index_cast %parallel_loop3A_204 : i32 to index
          %parallel_loop3A_230 = arith.constant 16 : index
          %parallel_loop3A_231 = tpu.vector_load %parallel_loop3A_228[%parallel_loop3A_229, %parallel_loop3A_230] {strides = array<i32>} : memref<256x128xf32, #tpu.memory_space<vmem>>, vector<1x16xf32>,
          %parallel_loop3A_232 = vector.shape_cast %parallel_loop3A_231 : vector<1x16xf32> to vector<16xf32>
          %parallel_loop3A_233 = arith.constant 11.3137083 : f32
          %parallel_loop3A_234 = vector.broadcast %parallel_loop3A_233 : f32 to vector<16xf32>
          %parallel_loop3A_235 = arith.mulf %parallel_loop3A_232, %parallel_loop3A_234 : vector<16xf32>
          %parallel_loop3A_236 = arith.constant 0 : i32
          %parallel_loop3A_237 = arith.constant 0 : i32
          %parallel_loop3A_238 = tpu.memref_slice %arg6[%cond3A_127, %parallel_loop3A_236, %parallel_loop3A_237] : memref<3x256x128xf32, #tpu.memory_space<vmem>> -> memref<1x256x128xf32, #tpu.memory_space<vmem>>
          %parallel_loop3A_239 = tpu.memref_squeeze %parallel_loop3A_238 : memref<1x256x128xf32, #tpu.memory_space<vmem>> -> memref<256x128xf32, #tpu.memory_space<vmem>>
          %parallel_loop3A_240 = arith.index_cast %parallel_loop3A_204 : i32 to index
          %parallel_loop3A_241 = arith.constant 16 : index
          %parallel_loop3A_242 = tpu.vector_load %parallel_loop3A_239[%parallel_loop3A_240, %parallel_loop3A_241] {strides = array<i32>} : memref<256x128xf32, #tpu.memory_space<vmem>>, vector<1x16xf32>,
          %parallel_loop3A_243 = vector.shape_cast %parallel_loop3A_242 : vector<1x16xf32> to vector<16xf32>
          %parallel_loop3A_244 = vector.shape_cast %parallel_loop3A_235 : vector<16xf32> to vector<1x16xf32>
          tpu.vector_store %parallel_loop3A_239[%parallel_loop3A_240, %parallel_loop3A_241], %parallel_loop3A_244 {strides = array<i32>} : memref<256x128xf32, #tpu.memory_space<vmem>>, vector<1x16xf32>,
          %parallel_loop3A_245 = arith.constant 0 : i32
          %parallel_loop3A_246 = arith.constant 0 : i32
          %parallel_loop3A_247 = tpu.memref_slice %arg6[%cond3A_127, %parallel_loop3A_245, %parallel_loop3A_246] : memref<3x256x128xf32, #tpu.memory_space<vmem>> -> memref<1x256x128xf32, #tpu.memory_space<vmem>>
          %parallel_loop3A_248 = tpu.memref_squeeze %parallel_loop3A_247 : memref<1x256x128xf32, #tpu.memory_space<vmem>> -> memref<256x128xf32, #tpu.memory_space<vmem>>
          %parallel_loop3A_249 = arith.index_cast %parallel_loop3A_204 : i32 to index
          %parallel_loop3A_250 = arith.constant 32 : index
          %parallel_loop3A_251 = tpu.vector_load %parallel_loop3A_248[%parallel_loop3A_249, %parallel_loop3A_250] {strides = array<i32>} : memref<256x128xf32, #tpu.memory_space<vmem>>, vector<1x16xf32>,
          %parallel_loop3A_252 = vector.shape_cast %parallel_loop3A_251 : vector<1x16xf32> to vector<16xf32>
          %parallel_loop3A_253 = arith.constant 11.3137083 : f32
          %parallel_loop3A_254 = vector.broadcast %parallel_loop3A_253 : f32 to vector<16xf32>
          %parallel_loop3A_255 = arith.mulf %parallel_loop3A_252, %parallel_loop3A_254 : vector<16xf32>
          %parallel_loop3A_256 = arith.constant 0 : i32
          %parallel_loop3A_257 = arith.constant 0 : i32
          %parallel_loop3A_258 = tpu.memref_slice %arg6[%cond3A_127, %parallel_loop3A_256, %parallel_loop3A_257] : memref<3x256x128xf32, #tpu.memory_space<vmem>> -> memref<1x256x128xf32, #tpu.memory_space<vmem>>
          %parallel_loop3A_259 = tpu.memref_squeeze %parallel_loop3A_258 : memref<1x256x128xf32, #tpu.memory_space<vmem>> -> memref<256x128xf32, #tpu.memory_space<vmem>>
          %parallel_loop3A_260 = arith.index_cast %parallel_loop3A_204 : i32 to index
          %parallel_loop3A_261 = arith.constant 32 : index
          %parallel_loop3A_262 = tpu.vector_load %parallel_loop3A_259[%parallel_loop3A_260, %parallel_loop3A_261] {strides = array<i32>} : memref<256x128xf32, #tpu.memory_space<vmem>>, vector<1x16xf32>,
          %parallel_loop3A_263 = vector.shape_cast %parallel_loop3A_262 : vector<1x16xf32> to vector<16xf32>
          %parallel_loop3A_264 = vector.shape_cast %parallel_loop3A_255 : vector<16xf32> to vector<1x16xf32>
          tpu.vector_store %parallel_loop3A_259[%parallel_loop3A_260, %parallel_loop3A_261], %parallel_loop3A_264 {strides = array<i32>} : memref<256x128xf32, #tpu.memory_space<vmem>>, vector<1x16xf32>,
          %parallel_loop3A_265 = arith.constant 0 : i32
          %parallel_loop3A_266 = arith.constant 0 : i32
          %parallel_loop3A_267 = tpu.memref_slice %arg6[%cond3A_127, %parallel_loop3A_265, %parallel_loop3A_266] : memref<3x256x128xf32, #tpu.memory_space<vmem>> -> memref<1x256x128xf32, #tpu.memory_space<vmem>>
          %parallel_loop3A_268 = tpu.memref_squeeze %parallel_loop3A_267 : memref<1x256x128xf32, #tpu.memory_space<vmem>> -> memref<256x128xf32, #tpu.memory_space<vmem>>
          %parallel_loop3A_269 = arith.index_cast %parallel_loop3A_204 : i32 to index
          %parallel_loop3A_270 = arith.constant 48 : index
          %parallel_loop3A_271 = tpu.vector_load %parallel_loop3A_268[%parallel_loop3A_269, %parallel_loop3A_270] {strides = array<i32>} : memref<256x128xf32, #tpu.memory_space<vmem>>, vector<1x16xf32>,
          %parallel_loop3A_272 = vector.shape_cast %parallel_loop3A_271 : vector<1x16xf32> to vector<16xf32>
          %parallel_loop3A_273 = arith.constant 11.3137083 : f32
          %parallel_loop3A_274 = vector.broadcast %parallel_loop3A_273 : f32 to vector<16xf32>
          %parallel_loop3A_275 = arith.mulf %parallel_loop3A_272, %parallel_loop3A_274 : vector<16xf32>
          %parallel_loop3A_276 = arith.constant 0 : i32
          %parallel_loop3A_277 = arith.constant 0 : i32
          %parallel_loop3A_278 = tpu.memref_slice %arg6[%cond3A_127, %parallel_loop3A_276, %parallel_loop3A_277] : memref<3x256x128xf32, #tpu.memory_space<vmem>> -> memref<1x256x128xf32, #tpu.memory_space<vmem>>
          %parallel_loop3A_279 = tpu.memref_squeeze %parallel_loop3A_278 : memref<1x256x128xf32, #tpu.memory_space<vmem>> -> memref<256x128xf32, #tpu.memory_space<vmem>>
          %parallel_loop3A_280 = arith.index_cast %parallel_loop3A_204 : i32 to index
          %parallel_loop3A_281 = arith.constant 48 : index
          %parallel_loop3A_282 = tpu.vector_load %parallel_loop3A_279[%parallel_loop3A_280, %parallel_loop3A_281] {strides = array<i32>} : memref<256x128xf32, #tpu.memory_space<vmem>>, vector<1x16xf32>,
          %parallel_loop3A_283 = vector.shape_cast %parallel_loop3A_282 : vector<1x16xf32> to vector<16xf32>
          %parallel_loop3A_284 = vector.shape_cast %parallel_loop3A_275 : vector<16xf32> to vector<1x16xf32>
          tpu.vector_store %parallel_loop3A_279[%parallel_loop3A_280, %parallel_loop3A_281], %parallel_loop3A_284 {strides = array<i32>} : memref<256x128xf32, #tpu.memory_space<vmem>>, vector<1x16xf32>,
          %parallel_loop3A_285 = arith.constant 0 : i32
          %parallel_loop3A_286 = arith.constant 0 : i32
          %parallel_loop3A_287 = tpu.memref_slice %arg6[%cond3A_127, %parallel_loop3A_285, %parallel_loop3A_286] : memref<3x256x128xf32, #tpu.memory_space<vmem>> -> memref<1x256x128xf32, #tpu.memory_space<vmem>>
          %parallel_loop3A_288 = tpu.memref_squeeze %parallel_loop3A_287 : memref<1x256x128xf32, #tpu.memory_space<vmem>> -> memref<256x128xf32, #tpu.memory_space<vmem>>
          %parallel_loop3A_289 = arith.index_cast %parallel_loop3A_204 : i32 to index
          %parallel_loop3A_290 = arith.constant 64 : index
          %parallel_loop3A_291 = tpu.vector_load %parallel_loop3A_288[%parallel_loop3A_289, %parallel_loop3A_290] {strides = array<i32>} : memref<256x128xf32, #tpu.memory_space<vmem>>, vector<1x16xf32>,
          %parallel_loop3A_292 = vector.shape_cast %parallel_loop3A_291 : vector<1x16xf32> to vector<16xf32>
          %parallel_loop3A_293 = arith.constant 11.3137083 : f32
          %parallel_loop3A_294 = vector.broadcast %parallel_loop3A_293 : f32 to vector<16xf32>
          %parallel_loop3A_295 = arith.mulf %parallel_loop3A_292, %parallel_loop3A_294 : vector<16xf32>
          %parallel_loop3A_296 = arith.constant 0 : i32
          %parallel_loop3A_297 = arith.constant 0 : i32
          %parallel_loop3A_298 = tpu.memref_slice %arg6[%cond3A_127, %parallel_loop3A_296, %parallel_loop3A_297] : memref<3x256x128xf32, #tpu.memory_space<vmem>> -> memref<1x256x128xf32, #tpu.memory_space<vmem>>
          %parallel_loop3A_299 = tpu.memref_squeeze %parallel_loop3A_298 : memref<1x256x128xf32, #tpu.memory_space<vmem>> -> memref<256x128xf32, #tpu.memory_space<vmem>>
          %parallel_loop3A_300 = arith.index_cast %parallel_loop3A_204 : i32 to index
          %parallel_loop3A_301 = arith.constant 64 : index
          %parallel_loop3A_302 = tpu.vector_load %parallel_loop3A_299[%parallel_loop3A_300, %parallel_loop3A_301] {strides = array<i32>} : memref<256x128xf32, #tpu.memory_space<vmem>>, vector<1x16xf32>,
          %parallel_loop3A_303 = vector.shape_cast %parallel_loop3A_302 : vector<1x16xf32> to vector<16xf32>
          %parallel_loop3A_304 = vector.shape_cast %parallel_loop3A_295 : vector<16xf32> to vector<1x16xf32>
          tpu.vector_store %parallel_loop3A_299[%parallel_loop3A_300, %parallel_loop3A_301], %parallel_loop3A_304 {strides = array<i32>} : memref<256x128xf32, #tpu.memory_space<vmem>>, vector<1x16xf32>,
          %parallel_loop3A_305 = arith.constant 0 : i32
          %parallel_loop3A_306 = arith.constant 0 : i32
          %parallel_loop3A_307 = tpu.memref_slice %arg6[%cond3A_127, %parallel_loop3A_305, %parallel_loop3A_306] : memref<3x256x128xf32, #tpu.memory_space<vmem>> -> memref<1x256x128xf32, #tpu.memory_space<vmem>>
          %parallel_loop3A_308 = tpu.memref_squeeze %parallel_loop3A_307 : memref<1x256x128xf32, #tpu.memory_space<vmem>> -> memref<256x128xf32, #tpu.memory_space<vmem>>
          %parallel_loop3A_309 = arith.index_cast %parallel_loop3A_204 : i32 to index
          %parallel_loop3A_310 = arith.constant 80 : index
          %parallel_loop3A_311 = tpu.vector_load %parallel_loop3A_308[%parallel_loop3A_309, %parallel_loop3A_310] {strides = array<i32>} : memref<256x128xf32, #tpu.memory_space<vmem>>, vector<1x16xf32>,
          %parallel_loop3A_312 = vector.shape_cast %parallel_loop3A_311 : vector<1x16xf32> to vector<16xf32>
          %parallel_loop3A_313 = arith.constant 11.3137083 : f32
          %parallel_loop3A_314 = vector.broadcast %parallel_loop3A_313 : f32 to vector<16xf32>
          %parallel_loop3A_315 = arith.mulf %parallel_loop3A_312, %parallel_loop3A_314 : vector<16xf32>
          %parallel_loop3A_316 = arith.constant 0 : i32
          %parallel_loop3A_317 = arith.constant 0 : i32
          %parallel_loop3A_318 = tpu.memref_slice %arg6[%cond3A_127, %parallel_loop3A_316, %parallel_loop3A_317] : memref<3x256x128xf32, #tpu.memory_space<vmem>> -> memref<1x256x128xf32, #tpu.memory_space<vmem>>
          %parallel_loop3A_319 = tpu.memref_squeeze %parallel_loop3A_318 : memref<1x256x128xf32, #tpu.memory_space<vmem>> -> memref<256x128xf32, #tpu.memory_space<vmem>>
          %parallel_loop3A_320 = arith.index_cast %parallel_loop3A_204 : i32 to index
          %parallel_loop3A_321 = arith.constant 80 : index
          %parallel_loop3A_322 = tpu.vector_load %parallel_loop3A_319[%parallel_loop3A_320, %parallel_loop3A_321] {strides = array<i32>} : memref<256x128xf32, #tpu.memory_space<vmem>>, vector<1x16xf32>,
          %parallel_loop3A_323 = vector.shape_cast %parallel_loop3A_322 : vector<1x16xf32> to vector<16xf32>
          %parallel_loop3A_324 = vector.shape_cast %parallel_loop3A_315 : vector<16xf32> to vector<1x16xf32>
          tpu.vector_store %parallel_loop3A_319[%parallel_loop3A_320, %parallel_loop3A_321], %parallel_loop3A_324 {strides = array<i32>} : memref<256x128xf32, #tpu.memory_space<vmem>>, vector<1x16xf32>,
          %parallel_loop3A_325 = arith.constant 0 : i32
          %parallel_loop3A_326 = arith.constant 0 : i32
          %parallel_loop3A_327 = tpu.memref_slice %arg6[%cond3A_127, %parallel_loop3A_325, %parallel_loop3A_326] : memref<3x256x128xf32, #tpu.memory_space<vmem>> -> memref<1x256x128xf32, #tpu.memory_space<vmem>>
          %parallel_loop3A_328 = tpu.memref_squeeze %parallel_loop3A_327 : memref<1x256x128xf32, #tpu.memory_space<vmem>> -> memref<256x128xf32, #tpu.memory_space<vmem>>
          %parallel_loop3A_329 = arith.index_cast %parallel_loop3A_204 : i32 to index
          %parallel_loop3A_330 = arith.constant 96 : index
          %parallel_loop3A_331 = tpu.vector_load %parallel_loop3A_328[%parallel_loop3A_329, %parallel_loop3A_330] {strides = array<i32>} : memref<256x128xf32, #tpu.memory_space<vmem>>, vector<1x16xf32>,
          %parallel_loop3A_332 = vector.shape_cast %parallel_loop3A_331 : vector<1x16xf32> to vector<16xf32>
          %parallel_loop3A_333 = arith.constant 11.3137083 : f32
          %parallel_loop3A_334 = vector.broadcast %parallel_loop3A_333 : f32 to vector<16xf32>
          %parallel_loop3A_335 = arith.mulf %parallel_loop3A_332, %parallel_loop3A_334 : vector<16xf32>
          %parallel_loop3A_336 = arith.constant 0 : i32
          %parallel_loop3A_337 = arith.constant 0 : i32
          %parallel_loop3A_338 = tpu.memref_slice %arg6[%cond3A_127, %parallel_loop3A_336, %parallel_loop3A_337] : memref<3x256x128xf32, #tpu.memory_space<vmem>> -> memref<1x256x128xf32, #tpu.memory_space<vmem>>
          %parallel_loop3A_339 = tpu.memref_squeeze %parallel_loop3A_338 : memref<1x256x128xf32, #tpu.memory_space<vmem>> -> memref<256x128xf32, #tpu.memory_space<vmem>>
          %parallel_loop3A_340 = arith.index_cast %parallel_loop3A_204 : i32 to index
          %parallel_loop3A_341 = arith.constant 96 : index
          %parallel_loop3A_342 = tpu.vector_load %parallel_loop3A_339[%parallel_loop3A_340, %parallel_loop3A_341] {strides = array<i32>} : memref<256x128xf32, #tpu.memory_space<vmem>>, vector<1x16xf32>,
          %parallel_loop3A_343 = vector.shape_cast %parallel_loop3A_342 : vector<1x16xf32> to vector<16xf32>
          %parallel_loop3A_344 = vector.shape_cast %parallel_loop3A_335 : vector<16xf32> to vector<1x16xf32>
          tpu.vector_store %parallel_loop3A_339[%parallel_loop3A_340, %parallel_loop3A_341], %parallel_loop3A_344 {strides = array<i32>} : memref<256x128xf32, #tpu.memory_space<vmem>>, vector<1x16xf32>,
          %parallel_loop3A_345 = arith.constant 0 : i32
          %parallel_loop3A_346 = arith.constant 0 : i32
          %parallel_loop3A_347 = tpu.memref_slice %arg6[%cond3A_127, %parallel_loop3A_345, %parallel_loop3A_346] : memref<3x256x128xf32, #tpu.memory_space<vmem>> -> memref<1x256x128xf32, #tpu.memory_space<vmem>>
          %parallel_loop3A_348 = tpu.memref_squeeze %parallel_loop3A_347 : memref<1x256x128xf32, #tpu.memory_space<vmem>> -> memref<256x128xf32, #tpu.memory_space<vmem>>
          %parallel_loop3A_349 = arith.index_cast %parallel_loop3A_204 : i32 to index
          %parallel_loop3A_350 = arith.constant 112 : index
          %parallel_loop3A_351 = tpu.vector_load %parallel_loop3A_348[%parallel_loop3A_349, %parallel_loop3A_350] {strides = array<i32>} : memref<256x128xf32, #tpu.memory_space<vmem>>, vector<1x16xf32>,
          %parallel_loop3A_352 = vector.shape_cast %parallel_loop3A_351 : vector<1x16xf32> to vector<16xf32>
          %parallel_loop3A_353 = arith.constant 11.3137083 : f32
          %parallel_loop3A_354 = vector.broadcast %parallel_loop3A_353 : f32 to vector<16xf32>
          %parallel_loop3A_355 = arith.mulf %parallel_loop3A_352, %parallel_loop3A_354 : vector<16xf32>
          %parallel_loop3A_356 = arith.constant 0 : i32
          %parallel_loop3A_357 = arith.constant 0 : i32
          %parallel_loop3A_358 = tpu.memref_slice %arg6[%cond3A_127, %parallel_loop3A_356, %parallel_loop3A_357] : memref<3x256x128xf32, #tpu.memory_space<vmem>> -> memref<1x256x128xf32, #tpu.memory_space<vmem>>
          %parallel_loop3A_359 = tpu.memref_squeeze %parallel_loop3A_358 : memref<1x256x128xf32, #tpu.memory_space<vmem>> -> memref<256x128xf32, #tpu.memory_space<vmem>>
          %parallel_loop3A_360 = arith.index_cast %parallel_loop3A_204 : i32 to index
          %parallel_loop3A_361 = arith.constant 112 : index
          %parallel_loop3A_362 = tpu.vector_load %parallel_loop3A_359[%parallel_loop3A_360, %parallel_loop3A_361] {strides = array<i32>} : memref<256x128xf32, #tpu.memory_space<vmem>>, vector<1x16xf32>,
          %parallel_loop3A_363 = vector.shape_cast %parallel_loop3A_362 : vector<1x16xf32> to vector<16xf32>
          %parallel_loop3A_364 = vector.shape_cast %parallel_loop3A_355 : vector<16xf32> to vector<1x16xf32>
          tpu.vector_store %parallel_loop3A_359[%parallel_loop3A_360, %parallel_loop3A_361], %parallel_loop3A_364 {strides = array<i32>} : memref<256x128xf32, #tpu.memory_space<vmem>>, vector<1x16xf32>,
        } {sc.loop_unroll_factor = 4 : i64, sc.parallel_access}
        %add3A_189 = arith.addi %mul3A_2, %add3A_123 : i32
        %mul3A_190 = arith.constant 256 : i32
        %mul3A_191 = arith.muli %add3A_189, %mul3A_190 : i32
        %dma_start3A_192 = arith.constant 0 : i32
        %dma_start3A_193 = arith.constant 0 : i32
        %dma_start3A_194 = tpu.memref_slice %arg6[%cond3A_127, %dma_start3A_192, %dma_start3A_193] : memref<3x256x128xf32, #tpu.memory_space<vmem>> -> memref<1x256x128xf32, #tpu.memory_space<vmem>>
        %dma_start3A_195 = tpu.memref_squeeze %dma_start3A_194 : memref<1x256x128xf32, #tpu.memory_space<vmem>> -> memref<256x128xf32, #tpu.memory_space<vmem>>
        %dma_start3A_196 = arith.constant 0 : i32
        %dma_start3A_197 = tpu.memref_slice %arg4[%mul3A_191, %dma_start3A_196] : memref<204800x128xf32, #tpu.memory_space<hbm>> -> memref<256x128xf32, #tpu.memory_space<hbm>>
        %dma_start3A_198 = arith.constant 0 : i32
        %dma_start3A_199 = tpu.memref_slice %arg4[%mul3A_191, %dma_start3A_198] : memref<204800x128xf32, #tpu.memory_space<hbm>> -> memref<256x128xf32, #tpu.memory_space<hbm>>
        %dma_start3A_200 = arith.constant 0 : i32
        %dma_start3A_201 = arith.constant 0 : i32
        %dma_start3A_202 = tpu.memref_slice %arg6[%cond3A_127, %dma_start3A_200, %dma_start3A_201] : memref<3x256x128xf32, #tpu.memory_space<vmem>> -> memref<1x256x128xf32, #tpu.memory_space<vmem>>
        %dma_start3A_203 = tpu.memref_squeeze %dma_start3A_202 : memref<1x256x128xf32, #tpu.memory_space<vmem>> -> memref<256x128xf32, #tpu.memory_space<vmem>>
        tpu.enqueue_dma source(%dma_start3A_203 : memref<256x128xf32, #tpu.memory_space<vmem>>) target(%dma_start3A_199 : memref<256x128xf32, #tpu.memory_space<hbm>>) target_semaphore(%arg11 : memref<!tpu.dma_semaphore, #tpu.memory_space<semaphore_mem>>)
      } else {
      }
      %ge3A_130 = arith.constant 1 : i32
      %ge3A_131 = arith.cmpi sge, %add3A_123, %ge3A_130 : i32
      %le3A_132 = arith.constant 25 : i32
      %le3A_133 = arith.cmpi sle, %add3A_123, %le3A_132 : i32
      %and3A_134 = arith.andi %ge3A_131, %le3A_133 : i1
      %convert_element_type3A_135 = arith.extui %and3A_134 : i1 to i32
      %cond3A_136 = arith.constant 0 : i32
      %cond3A_137 = arith.cmpi ne, %convert_element_type3A_135, %cond3A_136 : i32
      scf.if %cond3A_137 {
        %dma_wait3A = arith.constant 0 : i32
        %dma_wait3A_176 = arith.constant 0 : i32
        %dma_wait3A_177 = arith.constant 0 : i32
        %dma_wait3A_178 = tpu.memref_slice %arg6[%dma_wait3A, %dma_wait3A_176, %dma_wait3A_177] : memref<3x256x128xf32, #tpu.memory_space<vmem>> -> memref<1x256x128xf32, #tpu.memory_space<vmem>>
        %dma_wait3A_179 = tpu.memref_squeeze %dma_wait3A_178 : memref<1x256x128xf32, #tpu.memory_space<vmem>> -> memref<256x128xf32, #tpu.memory_space<vmem>>
        %dma_wait3A_180 = arith.constant 0 : i32
        %dma_wait3A_181 = arith.constant 0 : i32
        %dma_wait3A_182 = tpu.memref_slice %arg4[%dma_wait3A_180, %dma_wait3A_181] : memref<204800x128xf32, #tpu.memory_space<hbm>> -> memref<256x128xf32, #tpu.memory_space<hbm>>
        %dma_wait3A_183 = arith.constant 0 : i32
        %dma_wait3A_184 = arith.constant 0 : i32
        %dma_wait3A_185 = tpu.memref_slice %arg4[%dma_wait3A_183, %dma_wait3A_184] : memref<204800x128xf32, #tpu.memory_space<hbm>> -> memref<256x128xf32, #tpu.memory_space<hbm>>
        %dma_wait3A_186 = arith.constant 0 : i32
        %dma_wait3A_187 = arith.constant 0 : i32
        %dma_wait3A_188 = tpu.memref_slice %arg6[%dma_wait3A, %dma_wait3A_186, %dma_wait3A_187] : memref<3x256x128xf32, #tpu.memory_space<vmem>> -> memref<1x256x128xf32, #tpu.memory_space<vmem>>
        %dma_wait3A_189 = tpu.memref_squeeze %dma_wait3A_188 : memref<1x256x128xf32, #tpu.memory_space<vmem>> -> memref<256x128xf32, #tpu.memory_space<vmem>>
        tpu.wait_dma2 semaphore(%arg10 : memref<!tpu.dma_semaphore, #tpu.memory_space<semaphore_mem>>) src(%dma_wait3A_189 : memref<256x128xf32, #tpu.memory_space<vmem>>) dst(%dma_wait3A_185 : memref<256x128xf32, #tpu.memory_space<hbm>>)
      } else {
      }
      %ge3A_138 = arith.constant 1 : i32
      %ge3A_139 = arith.cmpi sge, %add3A_123, %ge3A_138 : i32
      %add3A_140 = arith.constant 2 : i32
      %add3A_141 = arith.addi %add3A_123, %add3A_140 : i32
      %lt3A_142 = arith.constant 25 : i32
      %lt3A_143 = arith.cmpi slt, %add3A_141, %lt3A_142 : i32
      %and3A_144 = arith.andi %ge3A_139, %lt3A_143 : i1
      %convert_element_type3A_145 = arith.extui %and3A_144 : i1 to i32
      %cond3A_146 = arith.constant 0 : i32
      %cond3A_147 = arith.cmpi ne, %convert_element_type3A_145, %cond3A_146 : i32
      scf.if %cond3A_147 {
        %add3A_176 = arith.constant 2 : i32
        %add3A_177 = arith.addi %add3A_123, %add3A_176 : i32
        %mul3A_178 = arith.constant 2 : i32
        %mul3A_179 = arith.muli %add3A_177, %mul3A_178 : i32
        %add3A_180 = arith.constant 0 : i32
        %add3A_181 = arith.addi %mul3A_179, %add3A_180 : i32
        %dma_start3A_182 = arith.constant 0 : i32
        %dma_start3A_183 = arith.constant 0 : i32
        %dma_start3A_184 = arith.constant 0 : i32
        %dma_start3A_185 = tpu.memref_slice %arg6[%dma_start3A_182, %dma_start3A_183, %dma_start3A_184] : memref<3x256x128xf32, #tpu.memory_space<vmem>> -> memref<1x256x128xf32, #tpu.memory_space<vmem>>
        %dma_start3A_186 = tpu.memref_squeeze %dma_start3A_185 : memref<1x256x128xf32, #tpu.memory_space<vmem>> -> memref<256x128xf32, #tpu.memory_space<vmem>>
        %dma_start3A_187 = arith.constant 0 : i32
        %dma_start3A_188 = arith.constant 0 : i32
        %dma_start3A_189 = tpu.memref_slice %dma_start3A_186[%dma_start3A_187, %dma_start3A_188] : memref<256x128xf32, #tpu.memory_space<vmem>> -> memref<128x128xf32, #tpu.memory_space<vmem>>
        %dma_start3A_190 = arith.constant 0 : i32
        %dma_start3A_191 = tpu.memref_slice %arg5[%add3A_181, %dma_start3A_190] : memref<50x128xi32, #tpu.memory_space<vmem>> -> memref<1x128xi32, #tpu.memory_space<vmem>>
        %dma_start3A_192 = tpu.memref_squeeze %dma_start3A_191 : memref<1x128xi32, #tpu.memory_space<vmem>> -> memref<128xi32, #tpu.memory_space<vmem>>
        %dma_start3A_193 = arith.constant 0 : i32
        %dma_start3A_194 = arith.constant 0 : i32
        %dma_start3A_195 = tpu.memref_slice %arg3[%dma_start3A_193, %dma_start3A_194] : memref<100000x128xf32, #tpu.memory_space<hbm>> -> memref<100000x128xf32, #tpu.memory_space<hbm>>
        tpu.enqueue_indirect_dma source(%dma_start3A_195 : memref<100000x128xf32, #tpu.memory_space<hbm>>) target(%dma_start3A_189 : memref<128x128xf32, #tpu.memory_space<vmem>>) offsets(%dma_start3A_192 : memref<128xi32, #tpu.memory_space<vmem>>) semaphore(%arg7 : memref<!tpu.dma_semaphore, #tpu.memory_space<semaphore_mem>>)
        %mul3A_196 = arith.constant 2 : i32
        %mul3A_197 = arith.muli %add3A_177, %mul3A_196 : i32
        %add3A_198 = arith.constant 1 : i32
        %add3A_199 = arith.addi %mul3A_197, %add3A_198 : i32
        %dma_start3A_200 = arith.constant 0 : i32
        %dma_start3A_201 = arith.constant 0 : i32
        %dma_start3A_202 = arith.constant 0 : i32
        %dma_start3A_203 = tpu.memref_slice %arg6[%dma_start3A_200, %dma_start3A_201, %dma_start3A_202] : memref<3x256x128xf32, #tpu.memory_space<vmem>> -> memref<1x256x128xf32, #tpu.memory_space<vmem>>
        %dma_start3A_204 = tpu.memref_squeeze %dma_start3A_203 : memref<1x256x128xf32, #tpu.memory_space<vmem>> -> memref<256x128xf32, #tpu.memory_space<vmem>>
        %dma_start3A_205 = arith.constant 128 : i32
        %dma_start3A_206 = arith.constant 0 : i32
        %dma_start3A_207 = tpu.memref_slice %dma_start3A_204[%dma_start3A_205, %dma_start3A_206] : memref<256x128xf32, #tpu.memory_space<vmem>> -> memref<128x128xf32, #tpu.memory_space<vmem>>
        %dma_start3A_208 = arith.constant 0 : i32
        %dma_start3A_209 = tpu.memref_slice %arg5[%add3A_199, %dma_start3A_208] : memref<50x128xi32, #tpu.memory_space<vmem>> -> memref<1x128xi32, #tpu.memory_space<vmem>>
        %dma_start3A_210 = tpu.memref_squeeze %dma_start3A_209 : memref<1x128xi32, #tpu.memory_space<vmem>> -> memref<128xi32, #tpu.memory_space<vmem>>
        %dma_start3A_211 = arith.constant 0 : i32
        %dma_start3A_212 = arith.constant 0 : i32
        %dma_start3A_213 = tpu.memref_slice %arg3[%dma_start3A_211, %dma_start3A_212] : memref<100000x128xf32, #tpu.memory_space<hbm>> -> memref<100000x128xf32, #tpu.memory_space<hbm>>
        tpu.enqueue_indirect_dma source(%dma_start3A_213 : memref<100000x128xf32, #tpu.memory_space<hbm>>) target(%dma_start3A_207 : memref<128x128xf32, #tpu.memory_space<vmem>>) offsets(%dma_start3A_210 : memref<128xi32, #tpu.memory_space<vmem>>) semaphore(%arg7 : memref<!tpu.dma_semaphore, #tpu.memory_space<semaphore_mem>>)
      } else {
      }
      %mul3A_148 = arith.constant 3 : i32
      %mul3A_149 = arith.muli %scan3A_97, %mul3A_148 : i32
      %add3A_150 = arith.constant 2 : i32
      %add3A_151 = arith.addi %mul3A_149, %add3A_150 : i32
      %lt3A_152 = arith.constant 25 : i32
      %lt3A_153 = arith.cmpi slt, %add3A_151, %lt3A_152 : i32
      %convert_element_type3A_154 = arith.extui %lt3A_153 : i1 to i32
      %cond3A_155 = arith.constant 2 : i32
      %cond3A_156 = arith.constant 0 : i32
      %cond3A_157 = arith.cmpi ne, %convert_element_type3A_154, %cond3A_156 : i32
      scf.if %cond3A_157 {
        %dma_wait3A = arith.constant 0 : i32
        %dma_wait3A_176 = arith.constant 2 : i32
        %dma_wait3A_177 = arith.constant 0 : i32
        %dma_wait3A_178 = arith.constant 0 : i32
        %dma_wait3A_179 = tpu.memref_slice %arg6[%dma_wait3A_176, %dma_wait3A_177, %dma_wait3A_178] : memref<3x256x128xf32, #tpu.memory_space<vmem>> -> memref<1x256x128xf32, #tpu.memory_space<vmem>>
        %dma_wait3A_180 = tpu.memref_squeeze %dma_wait3A_179 : memref<1x256x128xf32, #tpu.memory_space<vmem>> -> memref<256x128xf32, #tpu.memory_space<vmem>>
        %dma_wait3A_181 = arith.constant 0 : i32
        %dma_wait3A_182 = tpu.memref_slice %arg5[%dma_wait3A, %dma_wait3A_181] : memref<50x128xi32, #tpu.memory_space<vmem>> -> memref<1x128xi32, #tpu.memory_space<vmem>>
        %dma_wait3A_183 = tpu.memref_squeeze %dma_wait3A_182 : memref<1x128xi32, #tpu.memory_space<vmem>> -> memref<128xi32, #tpu.memory_space<vmem>>
        %dma_wait3A_184 = arith.constant 0 : i32
        %dma_wait3A_185 = arith.constant 0 : i32
        %dma_wait3A_186 = tpu.memref_slice %arg3[%dma_wait3A_184, %dma_wait3A_185] : memref<100000x128xf32, #tpu.memory_space<hbm>> -> memref<100000x128xf32, #tpu.memory_space<hbm>>
        tpu.wait_indirect_dma semaphore(%arg9 : memref<!tpu.dma_semaphore, #tpu.memory_space<semaphore_mem>>) src(%dma_wait3A_186 : memref<100000x128xf32, #tpu.memory_space<hbm>>) dst(%dma_wait3A_180 : memref<256x128xf32, #tpu.memory_space<vmem>>)
        %parallel_loop3A = arith.constant 0 : i32
        %parallel_loop3A_187 = arith.constant 256 : i32
        %parallel_loop3A_188 = arith.constant 1 : i32
        scf.for %parallel_loop3A_204 = %parallel_loop3A to %parallel_loop3A_187 step %parallel_loop3A_188  : i32 {
          %parallel_loop3A_205 = arith.constant 0 : i32
          %parallel_loop3A_206 = arith.constant 0 : i32
          %parallel_loop3A_207 = tpu.memref_slice %arg6[%cond3A_155, %parallel_loop3A_205, %parallel_loop3A_206] : memref<3x256x128xf32, #tpu.memory_space<vmem>> -> memref<1x256x128xf32, #tpu.memory_space<vmem>>
          %parallel_loop3A_208 = tpu.memref_squeeze %parallel_loop3A_207 : memref<1x256x128xf32, #tpu.memory_space<vmem>> -> memref<256x128xf32, #tpu.memory_space<vmem>>
          %parallel_loop3A_209 = arith.index_cast %parallel_loop3A_204 : i32 to index
          %parallel_loop3A_210 = arith.constant 0 : index
          %parallel_loop3A_211 = tpu.vector_load %parallel_loop3A_208[%parallel_loop3A_209, %parallel_loop3A_210] {strides = array<i32>} : memref<256x128xf32, #tpu.memory_space<vmem>>, vector<1x16xf32>,
          %parallel_loop3A_212 = vector.shape_cast %parallel_loop3A_211 : vector<1x16xf32> to vector<16xf32>
          %parallel_loop3A_213 = arith.constant 11.3137083 : f32
          %parallel_loop3A_214 = vector.broadcast %parallel_loop3A_213 : f32 to vector<16xf32>
          %parallel_loop3A_215 = arith.mulf %parallel_loop3A_212, %parallel_loop3A_214 : vector<16xf32>
          %parallel_loop3A_216 = arith.constant 0 : i32
          %parallel_loop3A_217 = arith.constant 0 : i32
          %parallel_loop3A_218 = tpu.memref_slice %arg6[%cond3A_155, %parallel_loop3A_216, %parallel_loop3A_217] : memref<3x256x128xf32, #tpu.memory_space<vmem>> -> memref<1x256x128xf32, #tpu.memory_space<vmem>>
          %parallel_loop3A_219 = tpu.memref_squeeze %parallel_loop3A_218 : memref<1x256x128xf32, #tpu.memory_space<vmem>> -> memref<256x128xf32, #tpu.memory_space<vmem>>
          %parallel_loop3A_220 = arith.index_cast %parallel_loop3A_204 : i32 to index
          %parallel_loop3A_221 = arith.constant 0 : index
          %parallel_loop3A_222 = tpu.vector_load %parallel_loop3A_219[%parallel_loop3A_220, %parallel_loop3A_221] {strides = array<i32>} : memref<256x128xf32, #tpu.memory_space<vmem>>, vector<1x16xf32>,
          %parallel_loop3A_223 = vector.shape_cast %parallel_loop3A_222 : vector<1x16xf32> to vector<16xf32>
          %parallel_loop3A_224 = vector.shape_cast %parallel_loop3A_215 : vector<16xf32> to vector<1x16xf32>
          tpu.vector_store %parallel_loop3A_219[%parallel_loop3A_220, %parallel_loop3A_221], %parallel_loop3A_224 {strides = array<i32>} : memref<256x128xf32, #tpu.memory_space<vmem>>, vector<1x16xf32>,
          %parallel_loop3A_225 = arith.constant 0 : i32
          %parallel_loop3A_226 = arith.constant 0 : i32
          %parallel_loop3A_227 = tpu.memref_slice %arg6[%cond3A_155, %parallel_loop3A_225, %parallel_loop3A_226] : memref<3x256x128xf32, #tpu.memory_space<vmem>> -> memref<1x256x128xf32, #tpu.memory_space<vmem>>
          %parallel_loop3A_228 = tpu.memref_squeeze %parallel_loop3A_227 : memref<1x256x128xf32, #tpu.memory_space<vmem>> -> memref<256x128xf32, #tpu.memory_space<vmem>>
          %parallel_loop3A_229 = arith.index_cast %parallel_loop3A_204 : i32 to index
          %parallel_loop3A_230 = arith.constant 16 : index
          %parallel_loop3A_231 = tpu.vector_load %parallel_loop3A_228[%parallel_loop3A_229, %parallel_loop3A_230] {strides = array<i32>} : memref<256x128xf32, #tpu.memory_space<vmem>>, vector<1x16xf32>,
          %parallel_loop3A_232 = vector.shape_cast %parallel_loop3A_231 : vector<1x16xf32> to vector<16xf32>
          %parallel_loop3A_233 = arith.constant 11.3137083 : f32
          %parallel_loop3A_234 = vector.broadcast %parallel_loop3A_233 : f32 to vector<16xf32>
          %parallel_loop3A_235 = arith.mulf %parallel_loop3A_232, %parallel_loop3A_234 : vector<16xf32>
          %parallel_loop3A_236 = arith.constant 0 : i32
          %parallel_loop3A_237 = arith.constant 0 : i32
          %parallel_loop3A_238 = tpu.memref_slice %arg6[%cond3A_155, %parallel_loop3A_236, %parallel_loop3A_237] : memref<3x256x128xf32, #tpu.memory_space<vmem>> -> memref<1x256x128xf32, #tpu.memory_space<vmem>>
          %parallel_loop3A_239 = tpu.memref_squeeze %parallel_loop3A_238 : memref<1x256x128xf32, #tpu.memory_space<vmem>> -> memref<256x128xf32, #tpu.memory_space<vmem>>
          %parallel_loop3A_240 = arith.index_cast %parallel_loop3A_204 : i32 to index
          %parallel_loop3A_241 = arith.constant 16 : index
          %parallel_loop3A_242 = tpu.vector_load %parallel_loop3A_239[%parallel_loop3A_240, %parallel_loop3A_241] {strides = array<i32>} : memref<256x128xf32, #tpu.memory_space<vmem>>, vector<1x16xf32>,
          %parallel_loop3A_243 = vector.shape_cast %parallel_loop3A_242 : vector<1x16xf32> to vector<16xf32>
          %parallel_loop3A_244 = vector.shape_cast %parallel_loop3A_235 : vector<16xf32> to vector<1x16xf32>
          tpu.vector_store %parallel_loop3A_239[%parallel_loop3A_240, %parallel_loop3A_241], %parallel_loop3A_244 {strides = array<i32>} : memref<256x128xf32, #tpu.memory_space<vmem>>, vector<1x16xf32>,
          %parallel_loop3A_245 = arith.constant 0 : i32
          %parallel_loop3A_246 = arith.constant 0 : i32
          %parallel_loop3A_247 = tpu.memref_slice %arg6[%cond3A_155, %parallel_loop3A_245, %parallel_loop3A_246] : memref<3x256x128xf32, #tpu.memory_space<vmem>> -> memref<1x256x128xf32, #tpu.memory_space<vmem>>
          %parallel_loop3A_248 = tpu.memref_squeeze %parallel_loop3A_247 : memref<1x256x128xf32, #tpu.memory_space<vmem>> -> memref<256x128xf32, #tpu.memory_space<vmem>>
          %parallel_loop3A_249 = arith.index_cast %parallel_loop3A_204 : i32 to index
          %parallel_loop3A_250 = arith.constant 32 : index
          %parallel_loop3A_251 = tpu.vector_load %parallel_loop3A_248[%parallel_loop3A_249, %parallel_loop3A_250] {strides = array<i32>} : memref<256x128xf32, #tpu.memory_space<vmem>>, vector<1x16xf32>,
          %parallel_loop3A_252 = vector.shape_cast %parallel_loop3A_251 : vector<1x16xf32> to vector<16xf32>
          %parallel_loop3A_253 = arith.constant 11.3137083 : f32
          %parallel_loop3A_254 = vector.broadcast %parallel_loop3A_253 : f32 to vector<16xf32>
          %parallel_loop3A_255 = arith.mulf %parallel_loop3A_252, %parallel_loop3A_254 : vector<16xf32>
          %parallel_loop3A_256 = arith.constant 0 : i32
          %parallel_loop3A_257 = arith.constant 0 : i32
          %parallel_loop3A_258 = tpu.memref_slice %arg6[%cond3A_155, %parallel_loop3A_256, %parallel_loop3A_257] : memref<3x256x128xf32, #tpu.memory_space<vmem>> -> memref<1x256x128xf32, #tpu.memory_space<vmem>>
          %parallel_loop3A_259 = tpu.memref_squeeze %parallel_loop3A_258 : memref<1x256x128xf32, #tpu.memory_space<vmem>> -> memref<256x128xf32, #tpu.memory_space<vmem>>
          %parallel_loop3A_260 = arith.index_cast %parallel_loop3A_204 : i32 to index
          %parallel_loop3A_261 = arith.constant 32 : index
          %parallel_loop3A_262 = tpu.vector_load %parallel_loop3A_259[%parallel_loop3A_260, %parallel_loop3A_261] {strides = array<i32>} : memref<256x128xf32, #tpu.memory_space<vmem>>, vector<1x16xf32>,
          %parallel_loop3A_263 = vector.shape_cast %parallel_loop3A_262 : vector<1x16xf32> to vector<16xf32>
          %parallel_loop3A_264 = vector.shape_cast %parallel_loop3A_255 : vector<16xf32> to vector<1x16xf32>
          tpu.vector_store %parallel_loop3A_259[%parallel_loop3A_260, %parallel_loop3A_261], %parallel_loop3A_264 {strides = array<i32>} : memref<256x128xf32, #tpu.memory_space<vmem>>, vector<1x16xf32>,
          %parallel_loop3A_265 = arith.constant 0 : i32
          %parallel_loop3A_266 = arith.constant 0 : i32
          %parallel_loop3A_267 = tpu.memref_slice %arg6[%cond3A_155, %parallel_loop3A_265, %parallel_loop3A_266] : memref<3x256x128xf32, #tpu.memory_space<vmem>> -> memref<1x256x128xf32, #tpu.memory_space<vmem>>
          %parallel_loop3A_268 = tpu.memref_squeeze %parallel_loop3A_267 : memref<1x256x128xf32, #tpu.memory_space<vmem>> -> memref<256x128xf32, #tpu.memory_space<vmem>>
          %parallel_loop3A_269 = arith.index_cast %parallel_loop3A_204 : i32 to index
          %parallel_loop3A_270 = arith.constant 48 : index
          %parallel_loop3A_271 = tpu.vector_load %parallel_loop3A_268[%parallel_loop3A_269, %parallel_loop3A_270] {strides = array<i32>} : memref<256x128xf32, #tpu.memory_space<vmem>>, vector<1x16xf32>,
          %parallel_loop3A_272 = vector.shape_cast %parallel_loop3A_271 : vector<1x16xf32> to vector<16xf32>
          %parallel_loop3A_273 = arith.constant 11.3137083 : f32
          %parallel_loop3A_274 = vector.broadcast %parallel_loop3A_273 : f32 to vector<16xf32>
          %parallel_loop3A_275 = arith.mulf %parallel_loop3A_272, %parallel_loop3A_274 : vector<16xf32>
          %parallel_loop3A_276 = arith.constant 0 : i32
          %parallel_loop3A_277 = arith.constant 0 : i32
          %parallel_loop3A_278 = tpu.memref_slice %arg6[%cond3A_155, %parallel_loop3A_276, %parallel_loop3A_277] : memref<3x256x128xf32, #tpu.memory_space<vmem>> -> memref<1x256x128xf32, #tpu.memory_space<vmem>>
          %parallel_loop3A_279 = tpu.memref_squeeze %parallel_loop3A_278 : memref<1x256x128xf32, #tpu.memory_space<vmem>> -> memref<256x128xf32, #tpu.memory_space<vmem>>
          %parallel_loop3A_280 = arith.index_cast %parallel_loop3A_204 : i32 to index
          %parallel_loop3A_281 = arith.constant 48 : index
          %parallel_loop3A_282 = tpu.vector_load %parallel_loop3A_279[%parallel_loop3A_280, %parallel_loop3A_281] {strides = array<i32>} : memref<256x128xf32, #tpu.memory_space<vmem>>, vector<1x16xf32>,
          %parallel_loop3A_283 = vector.shape_cast %parallel_loop3A_282 : vector<1x16xf32> to vector<16xf32>
          %parallel_loop3A_284 = vector.shape_cast %parallel_loop3A_275 : vector<16xf32> to vector<1x16xf32>
          tpu.vector_store %parallel_loop3A_279[%parallel_loop3A_280, %parallel_loop3A_281], %parallel_loop3A_284 {strides = array<i32>} : memref<256x128xf32, #tpu.memory_space<vmem>>, vector<1x16xf32>,
          %parallel_loop3A_285 = arith.constant 0 : i32
          %parallel_loop3A_286 = arith.constant 0 : i32
          %parallel_loop3A_287 = tpu.memref_slice %arg6[%cond3A_155, %parallel_loop3A_285, %parallel_loop3A_286] : memref<3x256x128xf32, #tpu.memory_space<vmem>> -> memref<1x256x128xf32, #tpu.memory_space<vmem>>
          %parallel_loop3A_288 = tpu.memref_squeeze %parallel_loop3A_287 : memref<1x256x128xf32, #tpu.memory_space<vmem>> -> memref<256x128xf32, #tpu.memory_space<vmem>>
          %parallel_loop3A_289 = arith.index_cast %parallel_loop3A_204 : i32 to index
          %parallel_loop3A_290 = arith.constant 64 : index
          %parallel_loop3A_291 = tpu.vector_load %parallel_loop3A_288[%parallel_loop3A_289, %parallel_loop3A_290] {strides = array<i32>} : memref<256x128xf32, #tpu.memory_space<vmem>>, vector<1x16xf32>,
          %parallel_loop3A_292 = vector.shape_cast %parallel_loop3A_291 : vector<1x16xf32> to vector<16xf32>
          %parallel_loop3A_293 = arith.constant 11.3137083 : f32
          %parallel_loop3A_294 = vector.broadcast %parallel_loop3A_293 : f32 to vector<16xf32>
          %parallel_loop3A_295 = arith.mulf %parallel_loop3A_292, %parallel_loop3A_294 : vector<16xf32>
          %parallel_loop3A_296 = arith.constant 0 : i32
          %parallel_loop3A_297 = arith.constant 0 : i32
          %parallel_loop3A_298 = tpu.memref_slice %arg6[%cond3A_155, %parallel_loop3A_296, %parallel_loop3A_297] : memref<3x256x128xf32, #tpu.memory_space<vmem>> -> memref<1x256x128xf32, #tpu.memory_space<vmem>>
          %parallel_loop3A_299 = tpu.memref_squeeze %parallel_loop3A_298 : memref<1x256x128xf32, #tpu.memory_space<vmem>> -> memref<256x128xf32, #tpu.memory_space<vmem>>
          %parallel_loop3A_300 = arith.index_cast %parallel_loop3A_204 : i32 to index
          %parallel_loop3A_301 = arith.constant 64 : index
          %parallel_loop3A_302 = tpu.vector_load %parallel_loop3A_299[%parallel_loop3A_300, %parallel_loop3A_301] {strides = array<i32>} : memref<256x128xf32, #tpu.memory_space<vmem>>, vector<1x16xf32>,
          %parallel_loop3A_303 = vector.shape_cast %parallel_loop3A_302 : vector<1x16xf32> to vector<16xf32>
          %parallel_loop3A_304 = vector.shape_cast %parallel_loop3A_295 : vector<16xf32> to vector<1x16xf32>
          tpu.vector_store %parallel_loop3A_299[%parallel_loop3A_300, %parallel_loop3A_301], %parallel_loop3A_304 {strides = array<i32>} : memref<256x128xf32, #tpu.memory_space<vmem>>, vector<1x16xf32>,
          %parallel_loop3A_305 = arith.constant 0 : i32
          %parallel_loop3A_306 = arith.constant 0 : i32
          %parallel_loop3A_307 = tpu.memref_slice %arg6[%cond3A_155, %parallel_loop3A_305, %parallel_loop3A_306] : memref<3x256x128xf32, #tpu.memory_space<vmem>> -> memref<1x256x128xf32, #tpu.memory_space<vmem>>
          %parallel_loop3A_308 = tpu.memref_squeeze %parallel_loop3A_307 : memref<1x256x128xf32, #tpu.memory_space<vmem>> -> memref<256x128xf32, #tpu.memory_space<vmem>>
          %parallel_loop3A_309 = arith.index_cast %parallel_loop3A_204 : i32 to index
          %parallel_loop3A_310 = arith.constant 80 : index
          %parallel_loop3A_311 = tpu.vector_load %parallel_loop3A_308[%parallel_loop3A_309, %parallel_loop3A_310] {strides = array<i32>} : memref<256x128xf32, #tpu.memory_space<vmem>>, vector<1x16xf32>,
          %parallel_loop3A_312 = vector.shape_cast %parallel_loop3A_311 : vector<1x16xf32> to vector<16xf32>
          %parallel_loop3A_313 = arith.constant 11.3137083 : f32
          %parallel_loop3A_314 = vector.broadcast %parallel_loop3A_313 : f32 to vector<16xf32>
          %parallel_loop3A_315 = arith.mulf %parallel_loop3A_312, %parallel_loop3A_314 : vector<16xf32>
          %parallel_loop3A_316 = arith.constant 0 : i32
          %parallel_loop3A_317 = arith.constant 0 : i32
          %parallel_loop3A_318 = tpu.memref_slice %arg6[%cond3A_155, %parallel_loop3A_316, %parallel_loop3A_317] : memref<3x256x128xf32, #tpu.memory_space<vmem>> -> memref<1x256x128xf32, #tpu.memory_space<vmem>>
          %parallel_loop3A_319 = tpu.memref_squeeze %parallel_loop3A_318 : memref<1x256x128xf32, #tpu.memory_space<vmem>> -> memref<256x128xf32, #tpu.memory_space<vmem>>
          %parallel_loop3A_320 = arith.index_cast %parallel_loop3A_204 : i32 to index
          %parallel_loop3A_321 = arith.constant 80 : index
          %parallel_loop3A_322 = tpu.vector_load %parallel_loop3A_319[%parallel_loop3A_320, %parallel_loop3A_321] {strides = array<i32>} : memref<256x128xf32, #tpu.memory_space<vmem>>, vector<1x16xf32>,
          %parallel_loop3A_323 = vector.shape_cast %parallel_loop3A_322 : vector<1x16xf32> to vector<16xf32>
          %parallel_loop3A_324 = vector.shape_cast %parallel_loop3A_315 : vector<16xf32> to vector<1x16xf32>
          tpu.vector_store %parallel_loop3A_319[%parallel_loop3A_320, %parallel_loop3A_321], %parallel_loop3A_324 {strides = array<i32>} : memref<256x128xf32, #tpu.memory_space<vmem>>, vector<1x16xf32>,
          %parallel_loop3A_325 = arith.constant 0 : i32
          %parallel_loop3A_326 = arith.constant 0 : i32
          %parallel_loop3A_327 = tpu.memref_slice %arg6[%cond3A_155, %parallel_loop3A_325, %parallel_loop3A_326] : memref<3x256x128xf32, #tpu.memory_space<vmem>> -> memref<1x256x128xf32, #tpu.memory_space<vmem>>
          %parallel_loop3A_328 = tpu.memref_squeeze %parallel_loop3A_327 : memref<1x256x128xf32, #tpu.memory_space<vmem>> -> memref<256x128xf32, #tpu.memory_space<vmem>>
          %parallel_loop3A_329 = arith.index_cast %parallel_loop3A_204 : i32 to index
          %parallel_loop3A_330 = arith.constant 96 : index
          %parallel_loop3A_331 = tpu.vector_load %parallel_loop3A_328[%parallel_loop3A_329, %parallel_loop3A_330] {strides = array<i32>} : memref<256x128xf32, #tpu.memory_space<vmem>>, vector<1x16xf32>,
          %parallel_loop3A_332 = vector.shape_cast %parallel_loop3A_331 : vector<1x16xf32> to vector<16xf32>
          %parallel_loop3A_333 = arith.constant 11.3137083 : f32
          %parallel_loop3A_334 = vector.broadcast %parallel_loop3A_333 : f32 to vector<16xf32>
          %parallel_loop3A_335 = arith.mulf %parallel_loop3A_332, %parallel_loop3A_334 : vector<16xf32>
          %parallel_loop3A_336 = arith.constant 0 : i32
          %parallel_loop3A_337 = arith.constant 0 : i32
          %parallel_loop3A_338 = tpu.memref_slice %arg6[%cond3A_155, %parallel_loop3A_336, %parallel_loop3A_337] : memref<3x256x128xf32, #tpu.memory_space<vmem>> -> memref<1x256x128xf32, #tpu.memory_space<vmem>>
          %parallel_loop3A_339 = tpu.memref_squeeze %parallel_loop3A_338 : memref<1x256x128xf32, #tpu.memory_space<vmem>> -> memref<256x128xf32, #tpu.memory_space<vmem>>
          %parallel_loop3A_340 = arith.index_cast %parallel_loop3A_204 : i32 to index
          %parallel_loop3A_341 = arith.constant 96 : index
          %parallel_loop3A_342 = tpu.vector_load %parallel_loop3A_339[%parallel_loop3A_340, %parallel_loop3A_341] {strides = array<i32>} : memref<256x128xf32, #tpu.memory_space<vmem>>, vector<1x16xf32>,
          %parallel_loop3A_343 = vector.shape_cast %parallel_loop3A_342 : vector<1x16xf32> to vector<16xf32>
          %parallel_loop3A_344 = vector.shape_cast %parallel_loop3A_335 : vector<16xf32> to vector<1x16xf32>
          tpu.vector_store %parallel_loop3A_339[%parallel_loop3A_340, %parallel_loop3A_341], %parallel_loop3A_344 {strides = array<i32>} : memref<256x128xf32, #tpu.memory_space<vmem>>, vector<1x16xf32>,
          %parallel_loop3A_345 = arith.constant 0 : i32
          %parallel_loop3A_346 = arith.constant 0 : i32
          %parallel_loop3A_347 = tpu.memref_slice %arg6[%cond3A_155, %parallel_loop3A_345, %parallel_loop3A_346] : memref<3x256x128xf32, #tpu.memory_space<vmem>> -> memref<1x256x128xf32, #tpu.memory_space<vmem>>
          %parallel_loop3A_348 = tpu.memref_squeeze %parallel_loop3A_347 : memref<1x256x128xf32, #tpu.memory_space<vmem>> -> memref<256x128xf32, #tpu.memory_space<vmem>>
          %parallel_loop3A_349 = arith.index_cast %parallel_loop3A_204 : i32 to index
          %parallel_loop3A_350 = arith.constant 112 : index
          %parallel_loop3A_351 = tpu.vector_load %parallel_loop3A_348[%parallel_loop3A_349, %parallel_loop3A_350] {strides = array<i32>} : memref<256x128xf32, #tpu.memory_space<vmem>>, vector<1x16xf32>,
          %parallel_loop3A_352 = vector.shape_cast %parallel_loop3A_351 : vector<1x16xf32> to vector<16xf32>
          %parallel_loop3A_353 = arith.constant 11.3137083 : f32
          %parallel_loop3A_354 = vector.broadcast %parallel_loop3A_353 : f32 to vector<16xf32>
          %parallel_loop3A_355 = arith.mulf %parallel_loop3A_352, %parallel_loop3A_354 : vector<16xf32>
          %parallel_loop3A_356 = arith.constant 0 : i32
          %parallel_loop3A_357 = arith.constant 0 : i32
          %parallel_loop3A_358 = tpu.memref_slice %arg6[%cond3A_155, %parallel_loop3A_356, %parallel_loop3A_357] : memref<3x256x128xf32, #tpu.memory_space<vmem>> -> memref<1x256x128xf32, #tpu.memory_space<vmem>>
          %parallel_loop3A_359 = tpu.memref_squeeze %parallel_loop3A_358 : memref<1x256x128xf32, #tpu.memory_space<vmem>> -> memref<256x128xf32, #tpu.memory_space<vmem>>
          %parallel_loop3A_360 = arith.index_cast %parallel_loop3A_204 : i32 to index
          %parallel_loop3A_361 = arith.constant 112 : index
          %parallel_loop3A_362 = tpu.vector_load %parallel_loop3A_359[%parallel_loop3A_360, %parallel_loop3A_361] {strides = array<i32>} : memref<256x128xf32, #tpu.memory_space<vmem>>, vector<1x16xf32>,
          %parallel_loop3A_363 = vector.shape_cast %parallel_loop3A_362 : vector<1x16xf32> to vector<16xf32>
          %parallel_loop3A_364 = vector.shape_cast %parallel_loop3A_355 : vector<16xf32> to vector<1x16xf32>
          tpu.vector_store %parallel_loop3A_359[%parallel_loop3A_360, %parallel_loop3A_361], %parallel_loop3A_364 {strides = array<i32>} : memref<256x128xf32, #tpu.memory_space<vmem>>, vector<1x16xf32>,
        } {sc.loop_unroll_factor = 4 : i64, sc.parallel_access}
        %add3A_189 = arith.addi %mul3A_2, %add3A_151 : i32
        %mul3A_190 = arith.constant 256 : i32
        %mul3A_191 = arith.muli %add3A_189, %mul3A_190 : i32
        %dma_start3A_192 = arith.constant 0 : i32
        %dma_start3A_193 = arith.constant 0 : i32
        %dma_start3A_194 = tpu.memref_slice %arg6[%cond3A_155, %dma_start3A_192, %dma_start3A_193] : memref<3x256x128xf32, #tpu.memory_space<vmem>> -> memref<1x256x128xf32, #tpu.memory_space<vmem>>
        %dma_start3A_195 = tpu.memref_squeeze %dma_start3A_194 : memref<1x256x128xf32, #tpu.memory_space<vmem>> -> memref<256x128xf32, #tpu.memory_space<vmem>>
        %dma_start3A_196 = arith.constant 0 : i32
        %dma_start3A_197 = tpu.memref_slice %arg4[%mul3A_191, %dma_start3A_196] : memref<204800x128xf32, #tpu.memory_space<hbm>> -> memref<256x128xf32, #tpu.memory_space<hbm>>
        %dma_start3A_198 = arith.constant 0 : i32
        %dma_start3A_199 = tpu.memref_slice %arg4[%mul3A_191, %dma_start3A_198] : memref<204800x128xf32, #tpu.memory_space<hbm>> -> memref<256x128xf32, #tpu.memory_space<hbm>>
        %dma_start3A_200 = arith.constant 0 : i32
        %dma_start3A_201 = arith.constant 0 : i32
        %dma_start3A_202 = tpu.memref_slice %arg6[%cond3A_155, %dma_start3A_200, %dma_start3A_201] : memref<3x256x128xf32, #tpu.memory_space<vmem>> -> memref<1x256x128xf32, #tpu.memory_space<vmem>>
        %dma_start3A_203 = tpu.memref_squeeze %dma_start3A_202 : memref<1x256x128xf32, #tpu.memory_space<vmem>> -> memref<256x128xf32, #tpu.memory_space<vmem>>
        tpu.enqueue_dma source(%dma_start3A_203 : memref<256x128xf32, #tpu.memory_space<vmem>>) target(%dma_start3A_199 : memref<256x128xf32, #tpu.memory_space<hbm>>) target_semaphore(%arg12 : memref<!tpu.dma_semaphore, #tpu.memory_space<semaphore_mem>>)
      } else {
      }
      %ge3A_158 = arith.constant 1 : i32
      %ge3A_159 = arith.cmpi sge, %add3A_151, %ge3A_158 : i32
      %le3A_160 = arith.constant 25 : i32
      %le3A_161 = arith.cmpi sle, %add3A_151, %le3A_160 : i32
      %and3A_162 = arith.andi %ge3A_159, %le3A_161 : i1
      %convert_element_type3A_163 = arith.extui %and3A_162 : i1 to i32
      %cond3A_164 = arith.constant 0 : i32
      %cond3A_165 = arith.cmpi ne, %convert_element_type3A_163, %cond3A_164 : i32
      scf.if %cond3A_165 {
        %dma_wait3A = arith.constant 1 : i32
        %dma_wait3A_176 = arith.constant 0 : i32
        %dma_wait3A_177 = arith.constant 0 : i32
        %dma_wait3A_178 = tpu.memref_slice %arg6[%dma_wait3A, %dma_wait3A_176, %dma_wait3A_177] : memref<3x256x128xf32, #tpu.memory_space<vmem>> -> memref<1x256x128xf32, #tpu.memory_space<vmem>>
        %dma_wait3A_179 = tpu.memref_squeeze %dma_wait3A_178 : memref<1x256x128xf32, #tpu.memory_space<vmem>> -> memref<256x128xf32, #tpu.memory_space<vmem>>
        %dma_wait3A_180 = arith.constant 0 : i32
        %dma_wait3A_181 = arith.constant 0 : i32
        %dma_wait3A_182 = tpu.memref_slice %arg4[%dma_wait3A_180, %dma_wait3A_181] : memref<204800x128xf32, #tpu.memory_space<hbm>> -> memref<256x128xf32, #tpu.memory_space<hbm>>
        %dma_wait3A_183 = arith.constant 0 : i32
        %dma_wait3A_184 = arith.constant 0 : i32
        %dma_wait3A_185 = tpu.memref_slice %arg4[%dma_wait3A_183, %dma_wait3A_184] : memref<204800x128xf32, #tpu.memory_space<hbm>> -> memref<256x128xf32, #tpu.memory_space<hbm>>
        %dma_wait3A_186 = arith.constant 0 : i32
        %dma_wait3A_187 = arith.constant 0 : i32
        %dma_wait3A_188 = tpu.memref_slice %arg6[%dma_wait3A, %dma_wait3A_186, %dma_wait3A_187] : memref<3x256x128xf32, #tpu.memory_space<vmem>> -> memref<1x256x128xf32, #tpu.memory_space<vmem>>
        %dma_wait3A_189 = tpu.memref_squeeze %dma_wait3A_188 : memref<1x256x128xf32, #tpu.memory_space<vmem>> -> memref<256x128xf32, #tpu.memory_space<vmem>>
        tpu.wait_dma2 semaphore(%arg11 : memref<!tpu.dma_semaphore, #tpu.memory_space<semaphore_mem>>) src(%dma_wait3A_189 : memref<256x128xf32, #tpu.memory_space<vmem>>) dst(%dma_wait3A_185 : memref<256x128xf32, #tpu.memory_space<hbm>>)
      } else {
      }
      %ge3A_166 = arith.constant 1 : i32
      %ge3A_167 = arith.cmpi sge, %add3A_151, %ge3A_166 : i32
      %add3A_168 = arith.constant 2 : i32
      %add3A_169 = arith.addi %add3A_151, %add3A_168 : i32
      %lt3A_170 = arith.constant 25 : i32
      %lt3A_171 = arith.cmpi slt, %add3A_169, %lt3A_170 : i32
      %and3A_172 = arith.andi %ge3A_167, %lt3A_171 : i1
      %convert_element_type3A_173 = arith.extui %and3A_172 : i1 to i32
      %cond3A_174 = arith.constant 0 : i32
      %cond3A_175 = arith.cmpi ne, %convert_element_type3A_173, %cond3A_174 : i32
      scf.if %cond3A_175 {
        %add3A_176 = arith.constant 2 : i32
        %add3A_177 = arith.addi %add3A_151, %add3A_176 : i32
        %mul3A_178 = arith.constant 2 : i32
        %mul3A_179 = arith.muli %add3A_177, %mul3A_178 : i32
        %add3A_180 = arith.constant 0 : i32
        %add3A_181 = arith.addi %mul3A_179, %add3A_180 : i32
        %dma_start3A_182 = arith.constant 1 : i32
        %dma_start3A_183 = arith.constant 0 : i32
        %dma_start3A_184 = arith.constant 0 : i32
        %dma_start3A_185 = tpu.memref_slice %arg6[%dma_start3A_182, %dma_start3A_183, %dma_start3A_184] : memref<3x256x128xf32, #tpu.memory_space<vmem>> -> memref<1x256x128xf32, #tpu.memory_space<vmem>>
        %dma_start3A_186 = tpu.memref_squeeze %dma_start3A_185 : memref<1x256x128xf32, #tpu.memory_space<vmem>> -> memref<256x128xf32, #tpu.memory_space<vmem>>
        %dma_start3A_187 = arith.constant 0 : i32
        %dma_start3A_188 = arith.constant 0 : i32
        %dma_start3A_189 = tpu.memref_slice %dma_start3A_186[%dma_start3A_187, %dma_start3A_188] : memref<256x128xf32, #tpu.memory_space<vmem>> -> memref<128x128xf32, #tpu.memory_space<vmem>>
        %dma_start3A_190 = arith.constant 0 : i32
        %dma_start3A_191 = tpu.memref_slice %arg5[%add3A_181, %dma_start3A_190] : memref<50x128xi32, #tpu.memory_space<vmem>> -> memref<1x128xi32, #tpu.memory_space<vmem>>
        %dma_start3A_192 = tpu.memref_squeeze %dma_start3A_191 : memref<1x128xi32, #tpu.memory_space<vmem>> -> memref<128xi32, #tpu.memory_space<vmem>>
        %dma_start3A_193 = arith.constant 0 : i32
        %dma_start3A_194 = arith.constant 0 : i32
        %dma_start3A_195 = tpu.memref_slice %arg3[%dma_start3A_193, %dma_start3A_194] : memref<100000x128xf32, #tpu.memory_space<hbm>> -> memref<100000x128xf32, #tpu.memory_space<hbm>>
        tpu.enqueue_indirect_dma source(%dma_start3A_195 : memref<100000x128xf32, #tpu.memory_space<hbm>>) target(%dma_start3A_189 : memref<128x128xf32, #tpu.memory_space<vmem>>) offsets(%dma_start3A_192 : memref<128xi32, #tpu.memory_space<vmem>>) semaphore(%arg8 : memref<!tpu.dma_semaphore, #tpu.memory_space<semaphore_mem>>)
        %mul3A_196 = arith.constant 2 : i32
        %mul3A_197 = arith.muli %add3A_177, %mul3A_196 : i32
        %add3A_198 = arith.constant 1 : i32
        %add3A_199 = arith.addi %mul3A_197, %add3A_198 : i32
        %dma_start3A_200 = arith.constant 1 : i32
        %dma_start3A_201 = arith.constant 0 : i32
        %dma_start3A_202 = arith.constant 0 : i32
        %dma_start3A_203 = tpu.memref_slice %arg6[%dma_start3A_200, %dma_start3A_201, %dma_start3A_202] : memref<3x256x128xf32, #tpu.memory_space<vmem>> -> memref<1x256x128xf32, #tpu.memory_space<vmem>>
        %dma_start3A_204 = tpu.memref_squeeze %dma_start3A_203 : memref<1x256x128xf32, #tpu.memory_space<vmem>> -> memref<256x128xf32, #tpu.memory_space<vmem>>
        %dma_start3A_205 = arith.constant 128 : i32
        %dma_start3A_206 = arith.constant 0 : i32
        %dma_start3A_207 = tpu.memref_slice %dma_start3A_204[%dma_start3A_205, %dma_start3A_206] : memref<256x128xf32, #tpu.memory_space<vmem>> -> memref<128x128xf32, #tpu.memory_space<vmem>>
        %dma_start3A_208 = arith.constant 0 : i32
        %dma_start3A_209 = tpu.memref_slice %arg5[%add3A_199, %dma_start3A_208] : memref<50x128xi32, #tpu.memory_space<vmem>> -> memref<1x128xi32, #tpu.memory_space<vmem>>
        %dma_start3A_210 = tpu.memref_squeeze %dma_start3A_209 : memref<1x128xi32, #tpu.memory_space<vmem>> -> memref<128xi32, #tpu.memory_space<vmem>>
        %dma_start3A_211 = arith.constant 0 : i32
        %dma_start3A_212 = arith.constant 0 : i32
        %dma_start3A_213 = tpu.memref_slice %arg3[%dma_start3A_211, %dma_start3A_212] : memref<100000x128xf32, #tpu.memory_space<hbm>> -> memref<100000x128xf32, #tpu.memory_space<hbm>>
        tpu.enqueue_indirect_dma source(%dma_start3A_213 : memref<100000x128xf32, #tpu.memory_space<hbm>>) target(%dma_start3A_207 : memref<128x128xf32, #tpu.memory_space<vmem>>) offsets(%dma_start3A_210 : memref<128xi32, #tpu.memory_space<vmem>>) semaphore(%arg8 : memref<!tpu.dma_semaphore, #tpu.memory_space<semaphore_mem>>)
      } else {
      }
    }
    %scan3A_96 = arith.constant 9 : i32
    return
  }
}

</mosaic_0001>

<sc_bundles>
// kernel: _sc_embed.3.cloned.1.call-start
scs
__scs_entry_jumppad:
0x0: {  	(pc) =	sbr.rel $0x88, $3  }
0x1: {  	(tag) =	ssettag $0x0;
	lr =	simm.s32 $0x1  }
0x2: {  	[smem:$0x3F9F] =	sst lr;
	_ =	strace $0xD0000000  }
0x3: {  	_ = 	snop  }
0x4: {  	_ = 	snop  }
0x5: {  	_ = 	snop  }
0x6: {  	_ = 	snop  }
0x7: {  	_ = 	snop  }
__scs_overlays_trampoline_lowered:
0x8: {  	[smem:$0x3FAE] =	sst s0  }
0x9: {  	[smem:$0x3FAF] =	sst s1  }
0xa: {  	[smem:$0x3FB0] =	sst s2  }
0xb: {  	[smem:$0x3FB1] =	sst s3  }
0xc: {  	[smem:$0x3FB2] =	sst s4  }
0xd: {  	[smem:$0x3FB3] =	sst s5  }
0xe: {  	[smem:$0x3FB4] =	sst s6  }
0xf: {  	[smem:$0x3FB5] =	sst s7  }
0x10: {  	[smem:$0x3FB6] =	sst s8  }
0x11: {  	[smem:$0x3FB7] =	sst s9;
	s0 =	simm.s32 @!p0 $0x0  }
0x12: {  	s1 =	sld [smem:$0x3F9D];
	s0 =	simm.s32 @p0 $0x1  }
0x13: {  	[smem:$0x3FB8] =	sst s0;
	s0 =	simm.s32 @!p1 $0x0  }
0x14: {  	s2 =	sld [smem:$0x3F9C];
	s0 =	simm.s32 @p1 $0x1  }
0x15: {  	[smem:$0x3FB9] =	sst s0;
	s0 =	simm.s32 @!p2 $0x0  }
0x16: {  	s3 =	sld [smem:$0x3FDB];
	s0 =	simm.s32 @p2 $0x1  }
0x17: {  	s4 =	simm.s32 $0x1BF5;
	[smem:$0x3FBB] =	sst s0  }
0x18: {  	s0 =	sld [smem:$0x3F9E];
	_ =	swait.ge [sflag:s4], $0x0  }
0x19: {  	s7 =	sld [smem:$0x3F9F]  }
0x1a: {  	s8 =	sadd.s32 $0xFFFFE003, lr  }
0x1b: {  	s9 =	sadd.s32 $0xFFFFFEF7, lr;
	s5 =	simm.s32 $0xFFFFFFFF;
	p2 =	slt.u32 s8, $0xFFFFF086  }
0x1c: {  	p1 =	slt.u32 s9, $0xF7A;
	s5 =	simm.s32 @!p2 $0x0  }
0x1d: {  	s5 =	simm.s32 @p1 $0x1;
	p0 =	seq.s32 s7, s2  }
0x1e: {  	s7 =	smul.u32 @!p0 $0xF7A, s2;
	p2 =	seq.s32 @!p0 s5, $0x0  }
0x1f: {  	s9 =	smul.u32 $0xF7A, s1;
	s8 =	simm.s32 @!p0 $0x1BF5;
	p2 =	por !p2, p0  }
0x20: {  	[sflag:s8] =	ssyncset.s32 @!p0 $0xFFFFF086;
	s6 =	sadd.s32 @!p0 s3, s7;
	s7 =	simm.s32 @!p0 $0x108  }
0x21: {  	s3 =	sadd.s32 s3, s9;
	s6 =	sadd.s32 @!p0 $0x88, s6;
	s7 =	simm.s32 @p2 $0x1082  }
0x22: {  	[simem:s7], [sflag:s8] =	dma.local @!p0 [hbm:s6], $0xF7A  }
0x23: {  	s9 =	sor.u32 $0xD0000000, s2;
	s6 =	simm.s32 $0x108;
	_ =	swait.ge @!p0 [sflag:s8], $0x0  }
0x24: {  	s3 =	sadd.s32 $0x88, s3;
	s6 =	simm.s32 @!p1 $0x1082;
	[sflag:s4] =	ssyncset.s32 $0xFFFFF086  }
0x25: {  	[simem:s6], [sflag:s4] =	dma.local [hbm:s3], $0xF7A  }
0x26: {  	[smem:$0x3F9F] =	sst s1;
	(tag) =	ssettag s2;
	_ =	strace s9  }
0x27: {  	s1 =	sld [smem:$0x3FAF]  }
0x28: {  	s2 =	sld [smem:$0x3FB0]  }
0x29: {  	s4 =	sld [smem:$0x3FB2]  }
0x2a: {  	p0 =	seq.s32 s5, $0x0;
	s5 =	sld [smem:$0x3FB3]  }
0x2b: {  	s6 =	sld [smem:$0x3FB4]  }
0x2c: {  	s7 =	sld [smem:$0x3FB5]  }
0x2d: {  	s3 =	simm.s32 $0x108;
	s8 =	sld [smem:$0x3FB6]  }
0x2e: {  	s3 =	simm.s32 @!p0 $0x1082;
	s9 =	sld [smem:$0x3FB7]  }
0x2f: {  	lr =	sadd.s32 s0, s3;
	s0 =	sld [smem:$0x3FAE]  }
0x30: {  	s3 =	sld [smem:$0x3FB1]  }
0x31: {  	[smem:$0x3FBA] =	sst s10  }
0x32: {  	s10 =	sld [smem:$0x3FB8];
	_ =	sdelay $0x3  }
0x33: {  	p0 =	seq.s32 s10, $0x1;
	s10 =	sld [smem:$0x3FBA];
	_ =	sdelay $0x3  }
0x34: {  	[smem:$0x3FBA] =	sst s10  }
0x35: {  	s10 =	sld [smem:$0x3FB9];
	_ =	sdelay $0x3  }
0x36: {  	p1 =	seq.s32 s10, $0x1;
	s10 =	sld [smem:$0x3FBA];
	_ =	sdelay $0x3  }
0x37: {  	[smem:$0x3FBA] =	sst s10  }
0x38: {  	s10 =	sld [smem:$0x3FBB]  }
0x39: {  	_ = 	snop;
	(pc) =	sbr.ind lr, $3  }
0x3a: {  	_ = 	snop  }
0x3b: {  	_ = 	snop  }
0x3c: {  	p2 =	seq.s32 s10, $0x1;
	s10 =	sld [smem:$0x3FBA]  }
0x3d: {  	_ =	shalt  }
0x3e: {  	_ =	shalt  }
0x3f: {  	_ =	shalt  }
0x40: {  	_ =	shalt  }
0x41: {  	_ =	shalt  }
0x42: {  	_ =	shalt  }
0x43: {  	_ =	shalt  }
0x44: {  	_ =	shalt  }
0x45: {  	_ =	shalt  }
0x46: {  	_ =	shalt  }
0x47: {  	_ =	shalt  }
0x48: {  	_ =	shalt  }
0x49: {  	_ =	shalt  }
0x4a: {  	_ =	shalt  }
0x4b: {  	_ =	shalt  }
0x4c: {  	_ =	shalt  }
0x4d: {  	_ =	shalt  }
0x4e: {  	_ =	shalt  }
0x4f: {  	_ =	shalt  }
0x50: {  	_ =	shalt  }
0x51: {  	_ =	shalt  }
0x52: {  	_ =	shalt  }
0x53: {  	_ =	shalt  }
0x54: {  	_ =	shalt  }
0x55: {  	_ =	shalt  }
0x56: {  	_ =	shalt  }
0x57: {  	_ =	shalt  }
0x58: {  	_ =	shalt  }
0x59: {  	_ =	shalt  }
0x5a: {  	_ =	shalt  }
0x5b: {  	_ =	shalt  }
0x5c: {  	_ =	shalt  }
0x5d: {  	_ =	shalt  }
0x5e: {  	_ =	shalt  }
0x5f: {  	_ =	shalt  }
0x60: {  	_ =	shalt  }
0x61: {  	_ =	shalt  }
0x62: {  	_ =	shalt  }
0x63: {  	_ =	shalt  }
0x64: {  	_ =	shalt  }
0x65: {  	_ =	shalt  }
0x66: {  	_ =	shalt  }
0x67: {  	_ =	shalt  }
0x68: {  	_ =	shalt  }
0x69: {  	_ =	shalt  }
0x6a: {  	_ =	shalt  }
0x6b: {  	_ =	shalt  }
0x6c: {  	_ =	shalt  }
0x6d: {  	_ =	shalt  }
0x6e: {  	_ =	shalt  }
0x6f: {  	_ =	shalt  }
0x70: {  	_ =	shalt  }
0x71: {  	_ =	shalt  }
0x72: {  	_ =	shalt  }
0x73: {  	_ =	shalt  }
0x74: {  	_ =	shalt  }
0x75: {  	_ =	shalt  }
0x76: {  	_ =	shalt  }
0x77: {  	_ =	shalt  }
0x78: {  	_ =	shalt  }
0x79: {  	_ =	shalt  }
0x7a: {  	_ =	shalt  }
0x7b: {  	_ =	shalt  }
0x7c: {  	_ =	shalt  }
0x7d: {  	_ =	shalt  }
0x7e: {  	_ =	shalt  }
0x7f: {  	_ =	shalt  }
0x80: {  	_ =	shalt  }
0x81: {  	_ =	shalt  }
0x82: {  	_ =	shalt  }
0x83: {  	_ =	shalt  }
0x84: {  	_ =	shalt  }
0x85: {  	_ =	shalt  }
0x86: {  	_ =	shalt  }
0x87: {  	_ =	shalt  }
.Lfunc_end0:
.L_simem_size_0:
called_computation_lowered:
.L_overlay_start_0:
0x88: {  	s2 =	sld [smem:$0x3FD9]  }
0x89: {  	s3 =	sld [smem:$0x3FFE];
	_ =	sdelay $0x1  }
0x8a: {  	s1 =	srdreg.scid  }
0x8b: {  	s0 =	sand.u32 $0x1, s1  }
0x8c: {  	s17 =	sshll.u32 s0, $0xA;
	s2 =	sadd.s32 s3, s2  }
0x8d: {  	s2 =	sadd.s32 s2, s17  }
0x8e: {  	[smem:$0x3FC6] =	sst s2  }
0x8f: {  	_ = 	snop  }
0x90: {  	s2 =	sld [smem:$0x3FC8]  }
0x91: {  	s18 =	sld [smem:$0x3FD0];
	(tm) =	ssettm $0x1  }
0x92: {  	s4 =	sld [smem:$0x3FFB];
	_ =	sdelay $0x3  }
0x93: {  	_ =	strace s4  }
0x94: {  	s4 =	sld [smem:$0x3FFC];
	_ =	sdelay $0x3  }
0x95: {  	_ =	strace s4  }
0x96: {  	s4 =	sld [smem:$0x3FFD];
	_ =	sdelay $0x3  }
0x97: {  	_ =	strace s4  }
0x98: {  	_ =	strace $0x8FFFFFFF  }
0x99: {  	s19 =	sld [smem:$0x3FDB];
	_ =	sdelay $0x1  }
0x9a: {  	s5 =	simm.s32 $_scs_section_size  }
0x9b: {  	s6 =	simm.s32 $_size__tile_overlayer_lowered;
	s7 =	simm.s32 $_tile_overlayer_lowered  }
0x9c: {  	s22 =	simm.s32 $0x1BFF;
	s21 =	sshll.u32 s7, $0x1;
	s4 =	sadd.s32 s5, s19  }
0x9d: {  	s8 =	simm.s32 $0x0;
	s20 =	sshll.u32 s6, $0x1;
	s6 =	sadd.s32 s21, s4  }
0x9e: {  	[timem:s8], [sflag:s22] =	dma.local [hbm:s6], s20  }
0x9f: {  	_ =	swait.ge [sflag:s22], s20  }
0xa0: {  	s5 =	ssub.s32 $0x0, s20;
	[sflag:s22] =	ssyncset.done $0x0  }
0xa1: {  	[sflag:s22] =	ssyncadd.s32 s5;
	_ =	sdelay $0x1  }
0xa2: {  	s23 =	simm.s32 $0x1B8B  }
0xa3: {  	_ =	swait.ge [sflag:s23], $0x1  }
0xa4: {  	[sflag:s23] =	ssyncset.done $0x0  }
0xa5: {  	s25 =	simm.s32 $0x1B8E;
	s24 =	sld [smem:$0x3FFE];
	[sflag:s23] =	ssyncadd.s32 $0xFFFFFFFF  }
0xa6: {  	s26 =	simm.s32 $execute0_lowered;
	[smem:$0x3FD2] =	sst s25  }
0xa7: {  	s6 =	sshll.u32 s26, $0x1;
	_ =	strace $0x80000046;
	[dreg:$0x1] =	wrdreg $0xFFFFFFFF  }
0xa8: {  	s28 =	simm.s32 $_size_execute0_lowered;
	s4 =	sadd.s32 s4, s6;
	[dreg:$0x0] =	wrdreg $0x0  }
0xa9: {  	s6 =	sshll.u32 s28, $0x1;
	[dreg:$0x2] =	wrdreg s4  }
0xaa: {  	[dreg:$0x3] =	wrdreg s6  }
0xab: {  	[dreg:$0x4] =	wrdreg $0xC0  }
0xac: {  	_ =	task [dreg:s8], $0x5FFFF  }
0xad: {  	[dreg:$0x1] =	wrdreg $0xFFFFFFFF  }
0xae: {  	[dreg:$0x0] =	wrdreg $0x60  }
0xaf: {  	[dreg:$0x2] =	wrdreg s24  }
0xb0: {  	[dreg:$0x3] =	wrdreg s2  }
0xb1: {  	[dreg:$0x4] =	wrdreg s18  }
0xb2: {  	[dreg:$0x5] =	wrdreg $0x9  }
0xb3: {  	_ =	task.clear_ibuf [dreg:s8], $0x6FFFF;
	_ =	strace $0x90000046  }
0xb4: {  	s29 =	simm.s32 $0x9;
	_ =	strace $0x80000048  }
0xb5: {  	_ =	swait.ge [sflag:s29], $0x1  }
0xb6: {  	[sflag:s29] =	ssyncadd.s32 $0xFFFFFFFF  }
0xb7: {  	_ =	strace $0x90000048  }
0xb8: {  	_ =	sfence  }
0xb9: {  	s30 =	sld [smem:$0x0];
	_ =	sdelay $0x2  }
0xba: {  	s31 =	sshll.u32 s1, $0xD;
	s1 =	sshrl.u32 s1, $0x2  }
0xbb: {  	s3 =	sand.u32 $0x4000, s31;
	s1 =	sadd.s32 s1, s30  }
0xbc: {  	s0 =	sor.u32 s3, s0;
	s1 =	sshll.u32 s1, $0x11  }
0xbd: {  	s0 =	sor.u32 s1, s0  }
0xbe: {  	s0 =	sadd.s32 $0x8F2B, s0  }
0xbf: {  	[sflag:s0] =	ssyncadd.remote.s32 $0x1  }
0xc0: {  	_ =	sfence.sel $0xFFFF  }
0xc1: {  	[dreg:$0x0] =	wrdreg $0xFFFFFFFF;
	(pc) =	sbr.abs _section_cstart, $3  }
0xc2: {  	[dreg:$0x1] =	wrdreg $0xFFFFFFFF  }
0xc3: {  	_ =	task.clear_ibuf [dreg:s8], $0x2FFFF;
	_ =	strace $0x9FFFFFFF  }
0xc4: {  	(tm) =	ssettm $0x7FFFFFFF  }
0xc5: {  	_ =	shalt  }
tec
execute0_lowered:
.L_overlay_start_1:
0x0: {  	(tag) =	ssettag $0x1  }
0x1: {  	s0 =	rddreg [dreg:$0x0]  }
0x2: {  	s2 =	rddreg [dreg:$0x1];
	s1 =	srdreg.scid  }
0x3: {  	s4 =	stileid.u32;
	s3 =	rddreg [dreg:$0x2];
	s9 =	simm.s32 $0x7  }
0x4: {  	s10 =	simm.s32 $0x80;
	s11 =	simm.s32 $0x1C00;
	s12 =	simm.s32 $0x5C00  }
0x5: {  	s13 =	simm.s32 $0x100;
	s14 =	simm.s32 $0x9C00;
	s15 =	simm.s32 $0x180  }
0x6: {  	s16 =	simm.s32 $0xDC00;
	s17 =	simm.s32 $0x200;
	s18 =	simm.s32 $0x11C00  }
0x7: {  	s19 =	simm.s32 $0x280;
	s20 =	simm.s32 $0x15C00;
	s21 =	simm.s32 $0x1  }
0x8: {  	s22 =	simm.s32 $0x2;
	s23 =	simm.s32 $0x4;
	s24 =	simm.s32 $0x3  }
0x9: {  	s25 =	simm.s32 $0x5;
	s1 =	sand.u32 $0x1, s1;
	s4 =	sshll.u32 s4, $0x1  }
.Ltmp0:
0xa: {  	s26 =	simm.s32 $0x0;
	s5 =	sor.u32 s1, s4;
	(pc) =	sbr.rel .LBB2_1-.Ltmp0, $4  }
0xb: {  	s4 =	simm.s32 $0x0;
	s1 =	ssub.s32 $0x2, s1;
	s6 =	smul.u32 $0x380, s5  }
0xc: {  	[smem:$0x7FF] =	sst s4;
	s7 =	sshrl.u32 s1, $0x1;
	s5 =	smul.u32 $0x19, s5  }
0xd: {  	_ =	strace $0x80000047;
	s1 =	ssub.s32 s1, s7;
	s0 =	sadd.s32 s6, s0  }
0xe: {  	s7 =	sadd.s32 $0x1, s5;
	s8 =	smax.u32 s1, $0x1;
	s6 =	sadd.s32 $0x400, s0  }
.LBB2_14:
0xf: {  	_ =	swait.ge [sflag:s23], $0x8000  }
0x10: {  	[sflag:s23] =	ssyncset.done $0x0  }
0x11: {  	[sflag:s23] =	ssyncadd.s32 $0xFFFF8000  }
.LBB2_12:
0x12: {  	s26 =	sadd.s32 $0x1, s26  }
0x13: {  	p0 =	sne.s32 s26, s8  }
.Ltmp1:
0x14: {  	_ = 	snop;
	(pc) =	sbr.rel @!p0 .LBB2_13-.Ltmp1, $1  }
0x15: {  	_ =	sdelay $0x3  }
.LBB2_1:
0x16: {  	[tilespmem:s4], [sflag:$0x7] =	stream.linear.gather [hbm4b:s6+s4], $0x1900, $0x38;
	[tilespmem:$0x19C00] =	vst v63  }
0x17: {  	_ =	swait.ge [sflag:s9], $0x1900  }
0x18: {  	[sflag:s9] =	ssyncset.done $0x0  }
0x19: {  	[sflag:s9] =	ssyncadd.s32 $0xFFFFE700  }
0x1a: {  	[tilespmem:s11], [sflag:$0x1] =	stream.indirect.gather [hbm4b:s2+s10], $0x80, s4, s10, $0xb8;
	[tilespmem:$0x19C00] =	vst v63  }
0x1b: {  	_ = 	snop  }
0x1c: {  	[tilespmem:s12], [sflag:$0x1] =	stream.indirect.gather [hbm4b:s2+s10], $0x80, s10, s10, $0xb8;
	[tilespmem:$0x19C00] =	vst v63  }
0x1d: {  	_ = 	snop  }
0x1e: {  	[tilespmem:s14], [sflag:$0x2] =	stream.indirect.gather [hbm4b:s2+s10], $0x80, s13, s10, $0xb8;
	[tilespmem:$0x19C00] =	vst v63  }
0x1f: {  	_ = 	snop  }
0x20: {  	[tilespmem:s16], [sflag:$0x2] =	stream.indirect.gather [hbm4b:s2+s10], $0x80, s15, s10, $0xb8;
	[tilespmem:$0x19C00] =	vst v63  }
0x21: {  	_ = 	snop  }
0x22: {  	[tilespmem:s18], [sflag:$0x3] =	stream.indirect.gather [hbm4b:s2+s10], $0x80, s17, s10, $0xb8;
	[tilespmem:$0x19C00] =	vst v63  }
0x23: {  	s28 =	simm.s32 $0x0  }
0x24: {  	[tilespmem:s20], [sflag:$0x3] =	stream.indirect.gather [hbm4b:s2+s10], $0x80, s19, s10, $0xb8;
	[tilespmem:$0x19C00] =	vst v63  }
.LBB2_2:
0x25: {  	_ =	swait.ge [sflag:s21], $0x8000  }
0x26: {  	[sflag:s21] =	ssyncset.done $0x0  }
0x27: {  	s29 =	simm.s32 $0x1D00;
	[sflag:s21] =	ssyncadd.s32 $0xFFFF8000  }
0x28: {  	v0 =	vld [tilespmem:s29+$0xF0]  }
0x29: {  	v1 =	vld [tilespmem:s29+$0xFFFFFF10]  }
0x2a: {  	v2 =	vld [tilespmem:s29+$0xFFFFFF20]  }
0x2b: {  	v3 =	vld [tilespmem:s29+$0xFFFFFF30]  }
0x2c: {  	v6 =	vld [tilespmem:s29+$0xFFFFFF60]  }
0x2d: {  	v4 =	vld [tilespmem:s29+$0xFFFFFF40]  }
0x2e: {  	v5 =	vld [tilespmem:s29+$0xFFFFFF50];
	v0 =	vmul.f32 $1.131370830e+01, v0  }
0x2f: {  	v8 =	vld [tilespmem:s29+$0xFFFFFF80];
	v1 =	vmul.f32 $1.131370830e+01, v1  }
0x30: {  	v7 =	vld [tilespmem:s29+$0xFFFFFF70];
	v2 =	vmul.f32 $1.131370830e+01, v2;
	[tilespmem:s29+$0xF0] =	vst v0  }
0x31: {  	v6 =	vmul.f32 $1.131370830e+01, v6;
	v0 =	vld [tilespmem:s29+$0xFFFFFF90];
	[tilespmem:s29+$0xFFFFFF10] =	vst v1  }
0x32: {  	v1 =	vmul.f32 $1.131370830e+01, v3;
	v3 =	vld [tilespmem:s29+$0xFFFFFFA0];
	[tilespmem:s29+$0xFFFFFF20] =	vst v2;
	v2 =	vmul.f32 $1.131370830e+01, v4  }
0x33: {  	[tilespmem:s29+$0xFFFFFF60] =	vst v6;
	v6 =	vld [tilespmem:s29+$0xFFFFFFF0]  }
0x34: {  	v4 =	vld [tilespmem:s29+$0xFFFFFFB0];
	[tilespmem:s29+$0xFFFFFF40] =	vst v2;
	v2 =	vmul.f32 $1.131370830e+01, v8  }
0x35: {  	[tilespmem:s29+$0xFFFFFF30] =	vst v1;
	v1 =	vmul.f32 $1.131370830e+01, v5;
	v5 =	vld [tilespmem:s29+$0xFFFFFFC0]  }
0x36: {  	v8 =	vld [tilespmem:s29+$0xFFFFFFD0];
	[tilespmem:s29+$0xFFFFFF80] =	vst v2;
	v2 =	vmul.f32 $1.131370830e+01, v7  }
0x37: {  	[tilespmem:s29+$0xFFFFFF50] =	vst v1;
	v1 =	vld [tilespmem:s29+$0xFFFFFFE0];
	v0 =	vmul.f32 $1.131370830e+01, v0  }
0x38: {  	v7 =	vld [tilespmem:s29+$0x30];
	v6 =	vmul.f32 $1.131370830e+01, v6;
	[tilespmem:s29+$0xFFFFFF70] =	vst v2  }
0x39: {  	v2 =	vmul.f32 $1.131370830e+01, v3;
	v3 =	vld [tilespmem:s29+$0x0];
	[tilespmem:s29+$0xFFFFFF90] =	vst v0  }
0x3a: {  	v0 =	vmul.f32 $1.131370830e+01, v4;
	v4 =	vld [tilespmem:s29+$0x10];
	[tilespmem:s29+$0xFFFFFFF0] =	vst v6  }
0x3b: {  	[tilespmem:s29+$0xFFFFFFA0] =	vst v2;
	v2 =	vmul.f32 $1.131370830e+01, v5;
	v5 =	vld [tilespmem:s29+$0x20]  }
0x3c: {  	v6 =	vld [tilespmem:s29+$0x80];
	[tilespmem:s29+$0xFFFFFFB0] =	vst v0;
	v0 =	vmul.f32 $1.131370830e+01, v8  }
0x3d: {  	v1 =	vmul.f32 $1.131370830e+01, v1;
	[tilespmem:s29+$0xFFFFFFC0] =	vst v2;
	v2 =	vld [tilespmem:s29+$0x40]  }
0x3e: {  	[tilespmem:s29+$0xFFFFFFD0] =	vst v0;
	v0 =	vmul.f32 $1.131370830e+01, v3;
	v3 =	vld [tilespmem:s29+$0x50]  }
0x3f: {  	[tilespmem:s29+$0xFFFFFFE0] =	vst v1;
	v1 =	vld [tilespmem:s29+$0x60];
	v4 =	vmul.f32 $1.131370830e+01, v4  }
0x40: {  	[tilespmem:s29+$0x0] =	vst v0;
	v0 =	vmul.f32 $1.131370830e+01, v5;
	v5 =	vld [tilespmem:s29+$0x70]  }
0x41: {  	v6 =	vmul.f32 $1.131370830e+01, v6;
	[tilespmem:s29+$0x10] =	vst v4  }
0x42: {  	v4 =	vmul.f32 $1.131370830e+01, v7;
	v7 =	vld [tilespmem:s29+$0x90];
	[tilespmem:s29+$0x20] =	vst v0;
	v0 =	vmul.f32 $1.131370830e+01, v2  }
0x43: {  	v8 =	vld [tilespmem:s29+$0xA0];
	[tilespmem:s29+$0x80] =	vst v6;
	v2 =	vmul.f32 $1.131370830e+01, v3  }
0x44: {  	v3 =	vmul.f32 $1.131370830e+01, v1;
	[tilespmem:s29+$0x40] =	vst v0;
	v0 =	vld [tilespmem:s29+$0xB0]  }
0x45: {  	v1 =	vld [tilespmem:s29+$0xC0];
	[tilespmem:s29+$0x50] =	vst v2;
	v2 =	vmul.f32 $1.131370830e+01, v5  }
0x46: {  	[tilespmem:s29+$0x60] =	vst v3;
	v3 =	vld [tilespmem:s29+$0xD0]  }
0x47: {  	v5 =	vmul.f32 $1.131370830e+01, v7;
	[tilespmem:s29+$0x70] =	vst v2;
	v2 =	vld [tilespmem:s29+$0xE0]  }
0x48: {  	s30 =	simm.s32 $0x0;
	s1 =	simm.s32 $0x1F00;
	v6 =	vmul.f32 $1.131370830e+01, v8;
	[tilespmem:s29+$0x30] =	vst v4;
	v4 =	vld [tilespmem:s29+$0xFFFFFF00]  }
.LBB2_3:
0x49: {  	v7 =	vld [tilespmem:s1+$0xF0];
	s30 =	sadd.s32 $0x4, s30;
	[tilespmem:s29+$0x90] =	vst v5;
	v0 =	vmul.f32 $1.131370830e+01, v0  }
0x4a: {  	v5 =	vld [tilespmem:s1+$0xFFFFFF10];
	p0 =	slt.u32 s30, $0xFC;
	[tilespmem:s29+$0xA0] =	vst v6;
	v1 =	vmul.f32 $1.131370830e+01, v1  }
0x4b: {  	v6 =	vld [tilespmem:s1+$0xFFFFFF20];
	[tilespmem:s29+$0xB0] =	vst v0;
	v0 =	vmul.f32 $1.131370830e+01, v3  }
0x4c: {  	v3 =	vld [tilespmem:s1+$0xFFFFFF30];
	[tilespmem:s29+$0xC0] =	vst v1;
	v1 =	vmul.f32 $1.131370830e+01, v2  }
0x4d: {  	v2 =	vld [tilespmem:s1+$0xFFFFFF40];
	v4 =	vmul.f32 $1.131370830e+01, v4;
	[tilespmem:s29+$0xD0] =	vst v0  }
0x4e: {  	v0 =	vld [tilespmem:s1+$0xFFFFFF50];
	v7 =	vmul.f32 $1.131370830e+01, v7;
	[tilespmem:s29+$0xE0] =	vst v1  }
0x4f: {  	v1 =	vmul.f32 $1.131370830e+01, v5;
	v5 =	vld [tilespmem:s1+$0xFFFFFF60];
	[tilespmem:s29+$0xFFFFFF00] =	vst v4;
	s29 =	smov.u32 s1  }
0x50: {  	v4 =	vmul.f32 $1.131370830e+01, v6;
	v6 =	vld [tilespmem:s1+$0xFFFFFF70];
	[tilespmem:s1+$0xF0] =	vst v7  }
0x51: {  	[tilespmem:s1+$0xFFFFFF10] =	vst v1;
	v1 =	vmul.f32 $1.131370830e+01, v3;
	v3 =	vld [tilespmem:s1+$0xFFFFFF80]  }
0x52: {  	[tilespmem:s1+$0xFFFFFF20] =	vst v4;
	v2 =	vmul.f32 $1.131370830e+01, v2;
	v4 =	vld [tilespmem:s1+$0xFFFFFF90]  }
0x53: {  	[tilespmem:s1+$0xFFFFFF30] =	vst v1;
	v0 =	vmul.f32 $1.131370830e+01, v0;
	v1 =	vld [tilespmem:s1+$0xFFFFFFA0]  }
0x54: {  	[tilespmem:s1+$0xFFFFFF40] =	vst v2;
	v2 =	vmul.f32 $1.131370830e+01, v5;
	v5 =	vld [tilespmem:s1+$0xFFFFFFB0]  }
0x55: {  	[tilespmem:s1+$0xFFFFFF50] =	vst v0;
	v0 =	vmul.f32 $1.131370830e+01, v6;
	v6 =	vld [tilespmem:s1+$0xFFFFFFC0]  }
0x56: {  	[tilespmem:s1+$0xFFFFFF60] =	vst v2;
	v2 =	vmul.f32 $1.131370830e+01, v3;
	v3 =	vld [tilespmem:s1+$0xFFFFFFD0]  }
0x57: {  	[tilespmem:s1+$0xFFFFFF70] =	vst v0;
	v0 =	vmul.f32 $1.131370830e+01, v4;
	v4 =	vld [tilespmem:s1+$0xFFFFFFE0]  }
0x58: {  	[tilespmem:s1+$0xFFFFFF80] =	vst v2;
	v1 =	vmul.f32 $1.131370830e+01, v1;
	v2 =	vld [tilespmem:s1+$0xFFFFFFF0]  }
0x59: {  	[tilespmem:s1+$0xFFFFFF90] =	vst v0;
	v0 =	vmul.f32 $1.131370830e+01, v5;
	v5 =	vld [tilespmem:s1+$0x0]  }
0x5a: {  	[tilespmem:s1+$0xFFFFFFA0] =	vst v1;
	v1 =	vmul.f32 $1.131370830e+01, v6;
	v6 =	vld [tilespmem:s1+$0x10]  }
0x5b: {  	[tilespmem:s1+$0xFFFFFFB0] =	vst v0;
	v0 =	vmul.f32 $1.131370830e+01, v3;
	v3 =	vld [tilespmem:s1+$0x20]  }
0x5c: {  	[tilespmem:s1+$0xFFFFFFC0] =	vst v1;
	v1 =	vmul.f32 $1.131370830e+01, v4;
	v4 =	vld [tilespmem:s1+$0x30]  }
0x5d: {  	[tilespmem:s1+$0xFFFFFFD0] =	vst v0;
	v0 =	vmul.f32 $1.131370830e+01, v2;
	v2 =	vld [tilespmem:s1+$0x40]  }
0x5e: {  	[tilespmem:s1+$0xFFFFFFE0] =	vst v1;
	v1 =	vmul.f32 $1.131370830e+01, v5;
	v5 =	vld [tilespmem:s1+$0x50]  }
0x5f: {  	[tilespmem:s1+$0xFFFFFFF0] =	vst v0;
	v0 =	vmul.f32 $1.131370830e+01, v6;
	v6 =	vld [tilespmem:s1+$0x60]  }
0x60: {  	[tilespmem:s1+$0x0] =	vst v1;
	v1 =	vmul.f32 $1.131370830e+01, v3;
	v3 =	vld [tilespmem:s1+$0x70]  }
0x61: {  	[tilespmem:s1+$0x10] =	vst v0;
	v0 =	vmul.f32 $1.131370830e+01, v4;
	v4 =	vld [tilespmem:s1+$0x80]  }
0x62: {  	[tilespmem:s1+$0x20] =	vst v1;
	v1 =	vmul.f32 $1.131370830e+01, v2;
	v2 =	vld [tilespmem:s1+$0x90]  }
0x63: {  	[tilespmem:s1+$0x30] =	vst v0;
	v5 =	vmul.f32 $1.131370830e+01, v5;
	v7 =	vld [tilespmem:s1+$0xA0]  }
.Ltmp2:
0x64: {  	[tilespmem:s1+$0x40] =	vst v1;
	v6 =	vmul.f32 $1.131370830e+01, v6;
	v0 =	vld [tilespmem:s1+$0xB0];
	(pc) =	sbr.rel @p0 .LBB2_3-.Ltmp2, $4  }
0x65: {  	[tilespmem:s1+$0x50] =	vst v5;
	v5 =	vmul.f32 $1.131370830e+01, v3;
	v1 =	vld [tilespmem:s1+$0xC0]  }
0x66: {  	[tilespmem:s1+$0x60] =	vst v6;
	v6 =	vmul.f32 $1.131370830e+01, v4;
	v3 =	vld [tilespmem:s1+$0xD0]  }
0x67: {  	[tilespmem:s1+$0x70] =	vst v5;
	v5 =	vmul.f32 $1.131370830e+01, v2;
	v2 =	vld [tilespmem:s1+$0xE0]  }
0x68: {  	s1 =	sadd.s32 $0x200, s1;
	v4 =	vld [tilespmem:s29+$0xFFFFFF00];
	[tilespmem:s29+$0x80] =	vst v6;
	v6 =	vmul.f32 $1.131370830e+01, v7  }
0x69: {  	[tilespmem:s29+$0x90] =	vst v5;
	v0 =	vmul.f32 $1.131370830e+01, v0  }
0x6a: {  	[tilespmem:s29+$0xA0] =	vst v6;
	v1 =	vmul.f32 $1.131370830e+01, v1  }
0x6b: {  	s30 =	smul.u32 $0x3, s28;
	[tilespmem:s29+$0xB0] =	vst v0;
	v61 =	vmul.f32 $1.131370830e+01, v3  }
0x6c: {  	[tilespmem:s29+$0xC0] =	vst v1;
	v62 =	vmul.f32 $1.131370830e+01, v2  }
0x6d: {  	s0 =	sadd.s32 s5, s30;
	v63 =	vmul.f32 $1.131370830e+01, v4;
	[tilespmem:s29+$0xD0] =	vst v61  }
0x6e: {  	s0 =	sshll.u32 s0, $0xC;
	[tilespmem:s29+$0xE0] =	vst v62  }
0x6f: {  	p1 =	seq.s32 s28, $0x0;
	s31 =	sadd.s32 $0xFFFFFFFF, s30;
	s0 =	sadd.s32 s3, s0;
	[tilespmem:s29+$0xFFFFFF00] =	vst v63  }
0x70: {  	[hbm4b:s0+s4] =	stream.linear.scatter [tilespmem:s11], [sflag:$0x4], $0x8000, $0x38;
	[tilespmem:$0x19C00] =	vst v63  }
.Ltmp3:
0x71: {  	p0 =	sgt.u32 s31, $0x18;
	(pc) =	sbr.rel @p1 .LBB2_7-.Ltmp3, $4  }
0x72: {  	s0 =	simm.s32 @!p0 $0x6  }
0x73: {  	_ =	swait.ge @!p0 [sflag:s0], $0x8000  }
0x74: {  	[sflag:s0] =	ssyncset.done @!p0 $0x0  }
0x75: {  	s29 =	sadd.s32 $0x2, s30;
	[sflag:s0] =	ssyncadd.s32 @!p0 $0xFFFF8000  }
0x76: {  	p0 =	seq.s32 s28, $0x8  }
.Ltmp4:
0x77: {  	_ = 	snop;
	(pc) =	sbr.rel @p0 .LBB2_14-.Ltmp4, $1  }
0x78: {  	_ =	sdelay $0x3  }
0x79: {  	s0 =	sshll.u32 s29, $0x8  }
0x7a: {  	s0 =	sand.u32 $0x3FFFFF00, s0  }
0x7b: {  	[tilespmem:s18], [sflag:$0x3] =	stream.indirect.gather [hbm4b:s2+s10], $0x80, s0, s10, $0xb8;
	[tilespmem:$0x19C00] =	vst v63  }
0x7c: {  	s0 =	sor.u32 $0x80, s0  }
0x7d: {  	[tilespmem:s20], [sflag:$0x3] =	stream.indirect.gather [hbm4b:s2+s10], $0x80, s0, s10, $0xb8;
	[tilespmem:$0x19C00] =	vst v63  }
.LBB2_7:
0x7e: {  	_ =	swait.ge [sflag:s22], $0x8000  }
0x7f: {  	[sflag:s22] =	ssyncset.done $0x0  }
0x80: {  	s31 =	simm.s32 $0x9C00;
	[sflag:s22] =	ssyncadd.s32 $0xFFFF8000  }
0x81: {  	v0 =	vld [tilespmem:s31+$0x1F0]  }
0x82: {  	v1 =	vld [tilespmem:s31+$0x10]  }
0x83: {  	v2 =	vld [tilespmem:s31+$0x20]  }
0x84: {  	v3 =	vld [tilespmem:s31+$0x30]  }
0x85: {  	v6 =	vld [tilespmem:s31+$0x60]  }
0x86: {  	v4 =	vld [tilespmem:s31+$0x40]  }
0x87: {  	v5 =	vld [tilespmem:s31+$0x50];
	v0 =	vmul.f32 $1.131370830e+01, v0  }
0x88: {  	v8 =	vld [tilespmem:s31+$0x80];
	v1 =	vmul.f32 $1.131370830e+01, v1  }
0x89: {  	v7 =	vld [tilespmem:s31+$0x70];
	v2 =	vmul.f32 $1.131370830e+01, v2;
	[tilespmem:s31+$0x1F0] =	vst v0  }
0x8a: {  	v6 =	vmul.f32 $1.131370830e+01, v6;
	v0 =	vld [tilespmem:s31+$0x90];
	[tilespmem:s31+$0x10] =	vst v1  }
0x8b: {  	v1 =	vmul.f32 $1.131370830e+01, v3;
	v3 =	vld [tilespmem:s31+$0xA0];
	[tilespmem:s31+$0x20] =	vst v2;
	v2 =	vmul.f32 $1.131370830e+01, v4  }
0x8c: {  	[tilespmem:s31+$0x60] =	vst v6;
	v6 =	vld [tilespmem:s31+$0xF0]  }
0x8d: {  	v4 =	vld [tilespmem:s31+$0xB0];
	[tilespmem:s31+$0x40] =	vst v2;
	v2 =	vmul.f32 $1.131370830e+01, v8  }
0x8e: {  	[tilespmem:s31+$0x30] =	vst v1;
	v1 =	vmul.f32 $1.131370830e+01, v5;
	v5 =	vld [tilespmem:s31+$0xC0]  }
0x8f: {  	v8 =	vld [tilespmem:s31+$0xD0];
	[tilespmem:s31+$0x80] =	vst v2;
	v2 =	vmul.f32 $1.131370830e+01, v7  }
0x90: {  	[tilespmem:s31+$0x50] =	vst v1;
	v1 =	vld [tilespmem:s31+$0xE0];
	v0 =	vmul.f32 $1.131370830e+01, v0  }
0x91: {  	v7 =	vld [tilespmem:s31+$0x130];
	v6 =	vmul.f32 $1.131370830e+01, v6;
	[tilespmem:s31+$0x70] =	vst v2  }
0x92: {  	v2 =	vmul.f32 $1.131370830e+01, v3;
	v3 =	vld [tilespmem:s31+$0x100];
	[tilespmem:s31+$0x90] =	vst v0  }
0x93: {  	v0 =	vmul.f32 $1.131370830e+01, v4;
	v4 =	vld [tilespmem:s31+$0x110];
	[tilespmem:s31+$0xF0] =	vst v6  }
0x94: {  	[tilespmem:s31+$0xA0] =	vst v2;
	v2 =	vmul.f32 $1.131370830e+01, v5;
	v5 =	vld [tilespmem:s31+$0x120]  }
0x95: {  	v6 =	vld [tilespmem:s31+$0x180];
	[tilespmem:s31+$0xB0] =	vst v0;
	v0 =	vmul.f32 $1.131370830e+01, v8  }
0x96: {  	v1 =	vmul.f32 $1.131370830e+01, v1;
	[tilespmem:s31+$0xC0] =	vst v2;
	v2 =	vld [tilespmem:s31+$0x140]  }
0x97: {  	[tilespmem:s31+$0xD0] =	vst v0;
	v0 =	vmul.f32 $1.131370830e+01, v3  }
0x98: {  	v3 =	vld [tilespmem:s31+$0x150];
	[tilespmem:s31+$0xE0] =	vst v1;
	v4 =	vmul.f32 $1.131370830e+01, v4  }
0x99: {  	v1 =	vld [tilespmem:s31+$0x160];
	[tilespmem:s31+$0x100] =	vst v0;
	v0 =	vmul.f32 $1.131370830e+01, v5  }
0x9a: {  	v6 =	vmul.f32 $1.131370830e+01, v6;
	v5 =	vld [tilespmem:s31+$0x170];
	[tilespmem:s31+$0x110] =	vst v4  }
0x9b: {  	v4 =	vmul.f32 $1.131370830e+01, v7;
	v7 =	vld [tilespmem:s31+$0x190];
	[tilespmem:s31+$0x120] =	vst v0;
	v0 =	vmul.f32 $1.131370830e+01, v2  }
0x9c: {  	v8 =	vld [tilespmem:s31+$0x1A0];
	[tilespmem:s31+$0x180] =	vst v6  }
0x9d: {  	v2 =	vmul.f32 $1.131370830e+01, v3;
	[tilespmem:s31+$0x140] =	vst v0;
	v0 =	vld [tilespmem:s31+$0x1B0]  }
0x9e: {  	[tilespmem:s31+$0x130] =	vst v4;
	v3 =	vmul.f32 $1.131370830e+01, v1;
	v1 =	vld [tilespmem:s31+$0x1C0]  }
0x9f: {  	[tilespmem:s31+$0x150] =	vst v2;
	v4 =	vmul.f32 $1.131370830e+01, v5;
	v2 =	vld [tilespmem:s31+$0x1D0]  }
0xa0: {  	[tilespmem:s31+$0x160] =	vst v3;
	v3 =	vld [tilespmem:s31+$0x1E0];
	v5 =	vmul.f32 $1.131370830e+01, v7  }
0xa1: {  	s1 =	simm.s32 $0x0;
	s0 =	simm.s32 $0x9E00;
	v6 =	vmul.f32 $1.131370830e+01, v8;
	[tilespmem:s31+$0x170] =	vst v4;
	v4 =	vld [tilespmem:s31+$0x0]  }
.LBB2_8:
0xa2: {  	v7 =	vld [tilespmem:s0+$0x1F0];
	s1 =	sadd.s32 $0x4, s1;
	[tilespmem:s31+$0x190] =	vst v5;
	v0 =	vmul.f32 $1.131370830e+01, v0  }
0xa3: {  	v5 =	vld [tilespmem:s0+$0x10];
	p0 =	slt.u32 s1, $0xFC;
	[tilespmem:s31+$0x1A0] =	vst v6;
	v1 =	vmul.f32 $1.131370830e+01, v1  }
0xa4: {  	v6 =	vld [tilespmem:s0+$0x20];
	[tilespmem:s31+$0x1B0] =	vst v0;
	v0 =	vmul.f32 $1.131370830e+01, v2  }
0xa5: {  	v2 =	vld [tilespmem:s0+$0x30];
	[tilespmem:s31+$0x1C0] =	vst v1;
	v1 =	vmul.f32 $1.131370830e+01, v3  }
0xa6: {  	v3 =	vld [tilespmem:s0+$0x40];
	v4 =	vmul.f32 $1.131370830e+01, v4;
	[tilespmem:s31+$0x1D0] =	vst v0  }
0xa7: {  	v0 =	vld [tilespmem:s0+$0x50];
	v7 =	vmul.f32 $1.131370830e+01, v7;
	[tilespmem:s31+$0x1E0] =	vst v1  }
0xa8: {  	v1 =	vmul.f32 $1.131370830e+01, v5;
	v5 =	vld [tilespmem:s0+$0x60];
	[tilespmem:s31+$0x0] =	vst v4;
	s31 =	smov.u32 s0  }
0xa9: {  	v4 =	vmul.f32 $1.131370830e+01, v6;
	v6 =	vld [tilespmem:s0+$0x70];
	[tilespmem:s0+$0x1F0] =	vst v7  }
0xaa: {  	[tilespmem:s0+$0x10] =	vst v1;
	v1 =	vmul.f32 $1.131370830e+01, v2;
	v2 =	vld [tilespmem:s0+$0x80]  }
0xab: {  	[tilespmem:s0+$0x20] =	vst v4;
	v3 =	vmul.f32 $1.131370830e+01, v3;
	v4 =	vld [tilespmem:s0+$0x90]  }
0xac: {  	[tilespmem:s0+$0x30] =	vst v1;
	v0 =	vmul.f32 $1.131370830e+01, v0;
	v1 =	vld [tilespmem:s0+$0xA0]  }
0xad: {  	[tilespmem:s0+$0x40] =	vst v3;
	v3 =	vmul.f32 $1.131370830e+01, v5;
	v5 =	vld [tilespmem:s0+$0xB0]  }
0xae: {  	[tilespmem:s0+$0x50] =	vst v0;
	v0 =	vmul.f32 $1.131370830e+01, v6;
	v6 =	vld [tilespmem:s0+$0xC0]  }
0xaf: {  	[tilespmem:s0+$0x60] =	vst v3;
	v2 =	vmul.f32 $1.131370830e+01, v2;
	v3 =	vld [tilespmem:s0+$0xD0]  }
0xb0: {  	[tilespmem:s0+$0x70] =	vst v0;
	v0 =	vmul.f32 $1.131370830e+01, v4;
	v4 =	vld [tilespmem:s0+$0xE0]  }
0xb1: {  	[tilespmem:s0+$0x80] =	vst v2;
	v1 =	vmul.f32 $1.131370830e+01, v1;
	v2 =	vld [tilespmem:s0+$0xF0]  }
0xb2: {  	[tilespmem:s0+$0x90] =	vst v0;
	v0 =	vmul.f32 $1.131370830e+01, v5;
	v5 =	vld [tilespmem:s0+$0x100]  }
0xb3: {  	[tilespmem:s0+$0xA0] =	vst v1;
	v1 =	vmul.f32 $1.131370830e+01, v6;
	v6 =	vld [tilespmem:s0+$0x110]  }
0xb4: {  	[tilespmem:s0+$0xB0] =	vst v0;
	v0 =	vmul.f32 $1.131370830e+01, v3;
	v3 =	vld [tilespmem:s0+$0x120]  }
0xb5: {  	[tilespmem:s0+$0xC0] =	vst v1;
	v1 =	vmul.f32 $1.131370830e+01, v4;
	v4 =	vld [tilespmem:s0+$0x130]  }
0xb6: {  	[tilespmem:s0+$0xD0] =	vst v0;
	v0 =	vmul.f32 $1.131370830e+01, v2;
	v2 =	vld [tilespmem:s0+$0x140]  }
0xb7: {  	[tilespmem:s0+$0xE0] =	vst v1;
	v1 =	vmul.f32 $1.131370830e+01, v5;
	v5 =	vld [tilespmem:s0+$0x150]  }
0xb8: {  	[tilespmem:s0+$0xF0] =	vst v0;
	v0 =	vmul.f32 $1.131370830e+01, v6;
	v6 =	vld [tilespmem:s0+$0x160]  }
0xb9: {  	[tilespmem:s0+$0x100] =	vst v1;
	v1 =	vmul.f32 $1.131370830e+01, v3;
	v3 =	vld [tilespmem:s0+$0x170]  }
0xba: {  	[tilespmem:s0+$0x110] =	vst v0;
	v0 =	vmul.f32 $1.131370830e+01, v4;
	v4 =	vld [tilespmem:s0+$0x180]  }
0xbb: {  	[tilespmem:s0+$0x120] =	vst v1;
	v1 =	vmul.f32 $1.131370830e+01, v2;
	v7 =	vld [tilespmem:s0+$0x190]  }
0xbc: {  	[tilespmem:s0+$0x130] =	vst v0;
	v2 =	vmul.f32 $1.131370830e+01, v5;
	v8 =	vld [tilespmem:s0+$0x1A0]  }
.Ltmp5:
0xbd: {  	[tilespmem:s0+$0x140] =	vst v1;
	v5 =	vmul.f32 $1.131370830e+01, v6;
	v0 =	vld [tilespmem:s0+$0x1B0];
	(pc) =	sbr.rel @p0 .LBB2_8-.Ltmp5, $4  }
0xbe: {  	[tilespmem:s0+$0x150] =	vst v2;
	v3 =	vmul.f32 $1.131370830e+01, v3;
	v1 =	vld [tilespmem:s0+$0x1C0]  }
0xbf: {  	[tilespmem:s0+$0x160] =	vst v5;
	v6 =	vmul.f32 $1.131370830e+01, v4;
	v2 =	vld [tilespmem:s0+$0x1D0]  }
0xc0: {  	[tilespmem:s0+$0x170] =	vst v3;
	v5 =	vmul.f32 $1.131370830e+01, v7;
	v3 =	vld [tilespmem:s0+$0x1E0]  }
0xc1: {  	s0 =	sadd.s32 $0x200, s0;
	v4 =	vld [tilespmem:s31+$0x0];
	[tilespmem:s31+$0x180] =	vst v6;
	v6 =	vmul.f32 $1.131370830e+01, v8  }
0xc2: {  	[tilespmem:s31+$0x190] =	vst v5;
	v0 =	vmul.f32 $1.131370830e+01, v0  }
0xc3: {  	[tilespmem:s31+$0x1A0] =	vst v6;
	v1 =	vmul.f32 $1.131370830e+01, v1  }
0xc4: {  	[tilespmem:s31+$0x1B0] =	vst v0;
	v0 =	vmul.f32 $1.131370830e+01, v2  }
0xc5: {  	s0 =	sadd.s32 s30, s7;
	[tilespmem:s31+$0x1C0] =	vst v1;
	v1 =	vmul.f32 $1.131370830e+01, v3  }
0xc6: {  	s0 =	sshll.u32 s0, $0xC;
	v2 =	vmul.f32 $1.131370830e+01, v4;
	[tilespmem:s31+$0x1D0] =	vst v0  }
0xc7: {  	s0 =	sand.u32 $0x1FFFF000, s0;
	[tilespmem:s31+$0x1E0] =	vst v1  }
0xc8: {  	s1 =	smul.u32 $0xC00, s28;
	s0 =	sadd.s32 s3, s0;
	[tilespmem:s31+$0x0] =	vst v2  }
0xc9: {  	[hbm4b:s0+s4] =	stream.linear.scatter [tilespmem:s14], [sflag:$0x5], $0x8000, $0x38;
	[tilespmem:$0x19C00] =	vst v63  }
0xca: {  	_ =	swait.ge [sflag:s23], $0x8000  }
0xcb: {  	s30 =	sshra.s32 s1, $0x2;
	[sflag:s23] =	ssyncset.done $0x0  }
0xcc: {  	s0 =	sadd.s32 $0x300, s30;
	[sflag:s23] =	ssyncadd.s32 $0xFFFF8000  }
0xcd: {  	[tilespmem:s11], [sflag:$0x1] =	stream.indirect.gather [hbm4b:s2+s10], $0x80, s0, s10, $0xb8;
	[tilespmem:$0x19C00] =	vst v63  }
0xce: {  	s1 =	sadd.s32 $0x380, s30  }
0xcf: {  	[tilespmem:s12], [sflag:$0x1] =	stream.indirect.gather [hbm4b:s2+s10], $0x80, s1, s10, $0xb8;
	[tilespmem:$0x19C00] =	vst v63  }
0xd0: {  	_ =	swait.ge [sflag:s24], $0x8000  }
0xd1: {  	[sflag:s24] =	ssyncset.done $0x0  }
0xd2: {  	s31 =	simm.s32 $0x11C00;
	[sflag:s24] =	ssyncadd.s32 $0xFFFF8000  }
0xd3: {  	v0 =	vld [tilespmem:s31+$0x1F0]  }
0xd4: {  	v1 =	vld [tilespmem:s31+$0x10]  }
0xd5: {  	v2 =	vld [tilespmem:s31+$0x20]  }
0xd6: {  	v3 =	vld [tilespmem:s31+$0x30]  }
0xd7: {  	v6 =	vld [tilespmem:s31+$0x60]  }
0xd8: {  	v4 =	vld [tilespmem:s31+$0x40]  }
0xd9: {  	v5 =	vld [tilespmem:s31+$0x50];
	v0 =	vmul.f32 $1.131370830e+01, v0  }
0xda: {  	v8 =	vld [tilespmem:s31+$0x80];
	v1 =	vmul.f32 $1.131370830e+01, v1  }
0xdb: {  	v7 =	vld [tilespmem:s31+$0x70];
	v2 =	vmul.f32 $1.131370830e+01, v2;
	[tilespmem:s31+$0x1F0] =	vst v0  }
0xdc: {  	v6 =	vmul.f32 $1.131370830e+01, v6;
	v0 =	vld [tilespmem:s31+$0x90];
	[tilespmem:s31+$0x10] =	vst v1  }
0xdd: {  	v1 =	vmul.f32 $1.131370830e+01, v3;
	v3 =	vld [tilespmem:s31+$0xA0];
	[tilespmem:s31+$0x20] =	vst v2;
	v2 =	vmul.f32 $1.131370830e+01, v4  }
0xde: {  	[tilespmem:s31+$0x60] =	vst v6;
	v6 =	vld [tilespmem:s31+$0xF0]  }
0xdf: {  	v4 =	vld [tilespmem:s31+$0xB0];
	[tilespmem:s31+$0x40] =	vst v2;
	v2 =	vmul.f32 $1.131370830e+01, v8  }
0xe0: {  	[tilespmem:s31+$0x30] =	vst v1;
	v1 =	vmul.f32 $1.131370830e+01, v5;
	v5 =	vld [tilespmem:s31+$0xC0]  }
0xe1: {  	v8 =	vld [tilespmem:s31+$0xD0];
	[tilespmem:s31+$0x80] =	vst v2;
	v2 =	vmul.f32 $1.131370830e+01, v7  }
0xe2: {  	[tilespmem:s31+$0x50] =	vst v1;
	v1 =	vld [tilespmem:s31+$0xE0];
	v0 =	vmul.f32 $1.131370830e+01, v0  }
0xe3: {  	v7 =	vld [tilespmem:s31+$0x130];
	v6 =	vmul.f32 $1.131370830e+01, v6;
	[tilespmem:s31+$0x70] =	vst v2  }
0xe4: {  	v2 =	vmul.f32 $1.131370830e+01, v3;
	v3 =	vld [tilespmem:s31+$0x100];
	[tilespmem:s31+$0x90] =	vst v0  }
0xe5: {  	v0 =	vmul.f32 $1.131370830e+01, v4;
	v4 =	vld [tilespmem:s31+$0x110];
	[tilespmem:s31+$0xF0] =	vst v6  }
0xe6: {  	[tilespmem:s31+$0xA0] =	vst v2;
	v2 =	vmul.f32 $1.131370830e+01, v5;
	v5 =	vld [tilespmem:s31+$0x120]  }
0xe7: {  	v6 =	vld [tilespmem:s31+$0x180];
	[tilespmem:s31+$0xB0] =	vst v0;
	v0 =	vmul.f32 $1.131370830e+01, v8  }
0xe8: {  	v1 =	vmul.f32 $1.131370830e+01, v1;
	[tilespmem:s31+$0xC0] =	vst v2;
	v2 =	vld [tilespmem:s31+$0x140]  }
0xe9: {  	[tilespmem:s31+$0xD0] =	vst v0;
	v0 =	vmul.f32 $1.131370830e+01, v3  }
0xea: {  	v3 =	vld [tilespmem:s31+$0x150];
	[tilespmem:s31+$0xE0] =	vst v1;
	v4 =	vmul.f32 $1.131370830e+01, v4  }
0xeb: {  	v1 =	vld [tilespmem:s31+$0x160];
	[tilespmem:s31+$0x100] =	vst v0;
	v0 =	vmul.f32 $1.131370830e+01, v5  }
0xec: {  	v6 =	vmul.f32 $1.131370830e+01, v6;
	v5 =	vld [tilespmem:s31+$0x170];
	[tilespmem:s31+$0x110] =	vst v4  }
0xed: {  	v4 =	vmul.f32 $1.131370830e+01, v7;
	v7 =	vld [tilespmem:s31+$0x190];
	[tilespmem:s31+$0x120] =	vst v0;
	v0 =	vmul.f32 $1.131370830e+01, v2  }
0xee: {  	v8 =	vld [tilespmem:s31+$0x1A0];
	[tilespmem:s31+$0x180] =	vst v6  }
0xef: {  	v2 =	vmul.f32 $1.131370830e+01, v3;
	[tilespmem:s31+$0x140] =	vst v0;
	v0 =	vld [tilespmem:s31+$0x1B0]  }
0xf0: {  	[tilespmem:s31+$0x130] =	vst v4;
	v3 =	vmul.f32 $1.131370830e+01, v1;
	v1 =	vld [tilespmem:s31+$0x1C0]  }
0xf1: {  	[tilespmem:s31+$0x150] =	vst v2;
	v4 =	vmul.f32 $1.131370830e+01, v5;
	v2 =	vld [tilespmem:s31+$0x1D0]  }
0xf2: {  	[tilespmem:s31+$0x160] =	vst v3;
	v3 =	vld [tilespmem:s31+$0x1E0];
	v5 =	vmul.f32 $1.131370830e+01, v7  }
0xf3: {  	s0 =	simm.s32 $0x11E00;
	s1 =	simm.s32 $0x0;
	v6 =	vmul.f32 $1.131370830e+01, v8;
	[tilespmem:s31+$0x170] =	vst v4;
	v4 =	vld [tilespmem:s31+$0x0]  }
.LBB2_10:
0xf4: {  	v7 =	vld [tilespmem:s0+$0x1F0];
	s1 =	sadd.s32 $0x4, s1;
	[tilespmem:s31+$0x190] =	vst v5;
	v0 =	vmul.f32 $1.131370830e+01, v0  }
0xf5: {  	v5 =	vld [tilespmem:s0+$0x10];
	p0 =	slt.u32 s1, $0xFC;
	[tilespmem:s31+$0x1A0] =	vst v6;
	v1 =	vmul.f32 $1.131370830e+01, v1  }
0xf6: {  	v6 =	vld [tilespmem:s0+$0x20];
	[tilespmem:s31+$0x1B0] =	vst v0;
	v0 =	vmul.f32 $1.131370830e+01, v2  }
0xf7: {  	v2 =	vld [tilespmem:s0+$0x30];
	[tilespmem:s31+$0x1C0] =	vst v1;
	v1 =	vmul.f32 $1.131370830e+01, v3  }
0xf8: {  	v3 =	vld [tilespmem:s0+$0x40];
	v4 =	vmul.f32 $1.131370830e+01, v4;
	[tilespmem:s31+$0x1D0] =	vst v0  }
0xf9: {  	v0 =	vld [tilespmem:s0+$0x50];
	v7 =	vmul.f32 $1.131370830e+01, v7;
	[tilespmem:s31+$0x1E0] =	vst v1  }
0xfa: {  	v1 =	vmul.f32 $1.131370830e+01, v5;
	v5 =	vld [tilespmem:s0+$0x60];
	[tilespmem:s31+$0x0] =	vst v4;
	s31 =	smov.u32 s0  }
0xfb: {  	v4 =	vmul.f32 $1.131370830e+01, v6;
	v6 =	vld [tilespmem:s0+$0x70];
	[tilespmem:s0+$0x1F0] =	vst v7  }
0xfc: {  	[tilespmem:s0+$0x10] =	vst v1;
	v1 =	vmul.f32 $1.131370830e+01, v2;
	v2 =	vld [tilespmem:s0+$0x80]  }
0xfd: {  	[tilespmem:s0+$0x20] =	vst v4;
	v3 =	vmul.f32 $1.131370830e+01, v3;
	v4 =	vld [tilespmem:s0+$0x90]  }
0xfe: {  	[tilespmem:s0+$0x30] =	vst v1;
	v0 =	vmul.f32 $1.131370830e+01, v0;
	v1 =	vld [tilespmem:s0+$0xA0]  }
0xff: {  	[tilespmem:s0+$0x40] =	vst v3;
	v3 =	vmul.f32 $1.131370830e+01, v5;
	v5 =	vld [tilespmem:s0+$0xB0]  }
0x100: {  	[tilespmem:s0+$0x50] =	vst v0;
	v0 =	vmul.f32 $1.131370830e+01, v6;
	v6 =	vld [tilespmem:s0+$0xC0]  }
0x101: {  	[tilespmem:s0+$0x60] =	vst v3;
	v2 =	vmul.f32 $1.131370830e+01, v2;
	v3 =	vld [tilespmem:s0+$0xD0]  }
0x102: {  	[tilespmem:s0+$0x70] =	vst v0;
	v0 =	vmul.f32 $1.131370830e+01, v4;
	v4 =	vld [tilespmem:s0+$0xE0]  }
0x103: {  	[tilespmem:s0+$0x80] =	vst v2;
	v1 =	vmul.f32 $1.131370830e+01, v1;
	v2 =	vld [tilespmem:s0+$0xF0]  }
0x104: {  	[tilespmem:s0+$0x90] =	vst v0;
	v0 =	vmul.f32 $1.131370830e+01, v5;
	v5 =	vld [tilespmem:s0+$0x100]  }
0x105: {  	[tilespmem:s0+$0xA0] =	vst v1;
	v1 =	vmul.f32 $1.131370830e+01, v6;
	v6 =	vld [tilespmem:s0+$0x110]  }
0x106: {  	[tilespmem:s0+$0xB0] =	vst v0;
	v0 =	vmul.f32 $1.131370830e+01, v3;
	v3 =	vld [tilespmem:s0+$0x120]  }
0x107: {  	[tilespmem:s0+$0xC0] =	vst v1;
	v1 =	vmul.f32 $1.131370830e+01, v4;
	v4 =	vld [tilespmem:s0+$0x130]  }
0x108: {  	[tilespmem:s0+$0xD0] =	vst v0;
	v0 =	vmul.f32 $1.131370830e+01, v2;
	v2 =	vld [tilespmem:s0+$0x140]  }
0x109: {  	[tilespmem:s0+$0xE0] =	vst v1;
	v1 =	vmul.f32 $1.131370830e+01, v5;
	v5 =	vld [tilespmem:s0+$0x150]  }
0x10a: {  	[tilespmem:s0+$0xF0] =	vst v0;
	v0 =	vmul.f32 $1.131370830e+01, v6;
	v6 =	vld [tilespmem:s0+$0x160]  }
0x10b: {  	[tilespmem:s0+$0x100] =	vst v1;
	v1 =	vmul.f32 $1.131370830e+01, v3;
	v3 =	vld [tilespmem:s0+$0x170]  }
0x10c: {  	[tilespmem:s0+$0x110] =	vst v0;
	v0 =	vmul.f32 $1.131370830e+01, v4;
	v4 =	vld [tilespmem:s0+$0x180]  }
0x10d: {  	[tilespmem:s0+$0x120] =	vst v1;
	v1 =	vmul.f32 $1.131370830e+01, v2;
	v7 =	vld [tilespmem:s0+$0x190]  }
0x10e: {  	[tilespmem:s0+$0x130] =	vst v0;
	v2 =	vmul.f32 $1.131370830e+01, v5;
	v8 =	vld [tilespmem:s0+$0x1A0]  }
.Ltmp6:
0x10f: {  	[tilespmem:s0+$0x140] =	vst v1;
	v5 =	vmul.f32 $1.131370830e+01, v6;
	v0 =	vld [tilespmem:s0+$0x1B0];
	(pc) =	sbr.rel @p0 .LBB2_10-.Ltmp6, $4  }
0x110: {  	[tilespmem:s0+$0x150] =	vst v2;
	v3 =	vmul.f32 $1.131370830e+01, v3;
	v1 =	vld [tilespmem:s0+$0x1C0]  }
0x111: {  	[tilespmem:s0+$0x160] =	vst v5;
	v6 =	vmul.f32 $1.131370830e+01, v4;
	v2 =	vld [tilespmem:s0+$0x1D0]  }
0x112: {  	[tilespmem:s0+$0x170] =	vst v3;
	v5 =	vmul.f32 $1.131370830e+01, v7;
	v3 =	vld [tilespmem:s0+$0x1E0]  }
0x113: {  	s0 =	sadd.s32 $0x200, s0;
	v4 =	vld [tilespmem:s31+$0x0];
	[tilespmem:s31+$0x180] =	vst v6;
	v6 =	vmul.f32 $1.131370830e+01, v8  }
0x114: {  	[tilespmem:s31+$0x190] =	vst v5;
	v0 =	vmul.f32 $1.131370830e+01, v0  }
0x115: {  	[tilespmem:s31+$0x1A0] =	vst v6;
	v1 =	vmul.f32 $1.131370830e+01, v1  }
0x116: {  	[tilespmem:s31+$0x1B0] =	vst v0;
	v61 =	vmul.f32 $1.131370830e+01, v2  }
0x117: {  	s0 =	sadd.s32 s5, s29;
	[tilespmem:s31+$0x1C0] =	vst v1;
	v62 =	vmul.f32 $1.131370830e+01, v3  }
0x118: {  	s0 =	sshll.u32 s0, $0xC;
	v63 =	vmul.f32 $1.131370830e+01, v4;
	[tilespmem:s31+$0x1D0] =	vst v61  }
0x119: {  	s0 =	sand.u32 $0x1FFFF000, s0;
	[tilespmem:s31+$0x1E0] =	vst v62  }
0x11a: {  	s0 =	sadd.s32 s3, s0;
	[tilespmem:s31+$0x0] =	vst v63  }
0x11b: {  	[hbm4b:s0+s4] =	stream.linear.scatter [tilespmem:s18], [sflag:$0x6], $0x8000, $0x38;
	[tilespmem:$0x19C00] =	vst v63  }
0x11c: {  	p0 =	sgt.u32 s28, $0x6;
	_ =	swait.ge [sflag:s25], $0x8000  }
0x11d: {  	s1 =	simm.s32 @!p0 $0x80;
	[sflag:s25] =	ssyncset.done $0x0  }
0x11e: {  	s29 =	simm.s32 @!p0 $0x9C00;
	s0 =	sadd.s32 @!p0 $0x400, s30;
	[sflag:s25] =	ssyncadd.s32 $0xFFFF8000  }
0x11f: {  	[tilespmem:s29], [sflag:$0x2] =	stream.indirect.gather @!p0 [hbm4b:s2+s1], $0x80, s0, s1, $0xb8;
	[tilespmem:$0x19C00] =	vst v63  }
0x120: {  	s28 =	sadd.s32 $0x1, s28;
	s0 =	sadd.s32 @!p0 $0x480, s30;
	s29 =	simm.s32 @!p0 $0xDC00  }
0x121: {  	[tilespmem:s29], [sflag:$0x2] =	stream.indirect.gather @!p0 [hbm4b:s2+s1], $0x80, s0, s1, $0xb8;
	[tilespmem:$0x19C00] =	vst v63  }
0x122: {  	p0 =	sne.s32 s28, $0x9  }
.Ltmp7:
0x123: {  	_ = 	snop;
	(pc) =	sbr.rel @p0 .LBB2_2-.Ltmp7, $4  }
.Ltmp8:
0x124: {  	_ = 	snop;
	(pc) =	sbr.rel @!p0 .LBB2_12-.Ltmp8, $4  }
0x125: {  	_ = 	snop  }
0x126: {  	_ = 	snop  }
0x127: {  	_ = 	snop  }
0x128: {  	_ = 	snop  }
.LBB2_13:
0x129: {  	_ =	sfence.sel $0x180000  }
0x12a: {  	[bflag:$0x0] =	sbarrier.arrive $0xFFFF  }
0x12b: {  	_ =	strace $0x90000047  }
0x12c: {  	s0 =	stileid.u32;
	[bflag:$0x2] =	sbarrier.arrive $0xFFFF  }
0x12d: {  	p0 =	sne.s32 s0, $0x0;
	s0 =	rddreg [dreg:$0x3]  }
0x12e: {  	s0 =	sadd.s32 @!p0 $0x100000, s0  }
0x12f: {  	[sflag:s0] =	ssyncadd.tile.s32 @!p0 $0x1;
	_ =	shalt  }
.Lfunc_end2:
_tile_overlayer_lowered:
.L_overlay_start_2:
0x130: {  	(tag) =	ssettag $0x2  }
0x131: {  	s0 =	rddreg [dreg:$0x0];
	s2 =	stileid.u32  }
0x132: {  	s1 =	rddreg [dreg:$0x1];
	p0 =	sne.s32 s2, $0x0  }
0x133: {  	s3 =	rddreg [dreg:$0x2];
	[bflag:$0x3] =	sbarrier.arrive $0xFFFF;
	s2 =	simm.s32 @!p0 $0x1C07  }
0x134: {  	[timem:s3], [sflag:s2] =	dma.local @!p0 [hbm:s0], s1  }
0x135: {  	s0 =	simm.s32 @!p0 $0x7  }
0x136: {  	_ =	swait.ge @!p0 [sflag:s0], s1  }
0x137: {  	s1 =	ssub.s32 @!p0 $0x0, s1;
	[sflag:s0] =	ssyncset.done @!p0 $0x0  }
0x138: {  	[sflag:s0] =	ssyncadd.s32 @!p0 s1  }
0x139: {  	[bflag:$0x3] =	sbarrier.arrive $0xFFFF  }
0x13a: {  	_ =	shalt  }

</sc_bundles>
